<compile_context>
chip_gen: v7x
topology: tpu7x:2x2x1
jax: 0.10.2.dev20260603
libtpu: 0.0.44.dev20260713+nightly
codegen_flags: <defaults>
</compile_context>

<pallas_src>
import functools

import jax
import jax.numpy as jnp
from jax import lax
from jax.experimental import pallas as pl
from jax.experimental.pallas import tpu as pltpu
from jax.experimental.pallas import tpu_sc as plsc

N_NODES = 10000
N_EDGES = 320000
D = 64

NW = 32
BLK = 128
EPW = 10240
E_PAD = NW * EPW
NBLK = EPW // BLK
NACC = 10240
RPS = NACC // 16


def _seg_sum_body(with_cnt, *refs):
    if with_cnt:
        (p_hbm, src_hbm, dst_hbm, z64_hbm, z16_hbm, ones_hbm,
         out_hbm, cnt_hbm,
         src_v, dst_v, rows_v, ones_v, acc_sh, cnt_sh, sem) = refs
    else:
        (p_hbm, src_hbm, dst_hbm, z64_hbm,
         out_hbm,
         src_v, dst_v, rows_v, acc_sh, sem) = refs

    c = lax.axis_index("c")
    s = lax.axis_index("s")
    wid = s * 2 + c

    pltpu.sync_copy(z64_hbm, acc_sh.at[pl.ds(s * RPS, RPS)])
    if with_cnt:
        pltpu.sync_copy(z16_hbm, cnt_sh.at[pl.ds(s * RPS, RPS)])
        pltpu.sync_copy(ones_hbm, ones_v)
    plsc.subcore_barrier()

    base = wid * EPW

    def blk(j, carry):
        off = base + j * BLK
        pltpu.sync_copy(src_hbm.at[pl.ds(off, BLK)], src_v)
        pltpu.sync_copy(dst_hbm.at[pl.ds(off, BLK)], dst_v)
        pltpu.async_copy(p_hbm.at[src_v], rows_v, sem).wait()
        pltpu.sync_copy(rows_v, acc_sh.at[dst_v], add=True)
        if with_cnt:
            pltpu.sync_copy(ones_v, cnt_sh.at[dst_v], add=True)
        return carry

    lax.fori_loop(0, NBLK, blk, 0)
    plsc.subcore_barrier()

    pltpu.sync_copy(acc_sh.at[pl.ds(s * RPS, RPS)],
                    out_hbm.at[c, pl.ds(s * RPS, RPS)])
    if with_cnt:
        pltpu.sync_copy(cnt_sh.at[pl.ds(s * RPS, RPS)],
                        cnt_hbm.at[c, pl.ds(s * RPS, RPS)])


def _make_seg_sum(with_cnt):
    mesh = plsc.VectorSubcoreMesh(core_axis_name="c", subcore_axis_name="s")
    out_type = [jax.ShapeDtypeStruct((2, NACC, D), jnp.float32)]
    scratch = [
        pltpu.VMEM((BLK,), jnp.int32),
        pltpu.VMEM((BLK,), jnp.int32),
        pltpu.VMEM((BLK, D), jnp.float32),
    ]
    if with_cnt:
        out_type.append(jax.ShapeDtypeStruct((2, NACC, 16), jnp.float32))
        scratch.append(pltpu.VMEM((BLK, 16), jnp.float32))
        scratch.append(pltpu.VMEM_SHARED((NACC, D), jnp.float32))
        scratch.append(pltpu.VMEM_SHARED((NACC, 16), jnp.float32))
    else:
        scratch.append(pltpu.VMEM_SHARED((NACC, D), jnp.float32))
    scratch.append(pltpu.SemaphoreType.DMA)
    return pl.kernel(
        functools.partial(_seg_sum_body, with_cnt),
        out_type=out_type,
        mesh=mesh,
        scratch_types=scratch,
        compiler_params=pltpu.CompilerParams(use_tc_tiling_on_sc=False),
    )


_seg_sum_cnt = _make_seg_sum(True)
_seg_sum = _make_seg_sum(False)



_R = 2000
_GRID = N_NODES // _R


def _rows(bs):
    return pl.BlockSpec(bs, lambda i: (i, 0))


def _full(bs):
    return pl.BlockSpec(bs, lambda i: (0, 0))


def _tc0_body(x_ref, wl_ref, wr_ref, p_ref, r_ref):
    x = x_ref[...]
    p_ref[...] = jnp.dot(x, wl_ref[...], preferred_element_type=jnp.float32)
    r_ref[...] = jnp.dot(x, wr_ref[...], preferred_element_type=jnp.float32)


_tc0 = pl.pallas_call(
    _tc0_body,
    grid=(_GRID,),
    in_specs=[_rows((_R, 128)), _full((128, D)), _full((128, D))],
    out_specs=[_rows((_R, D)), _rows((_R, D))],
    out_shape=[jax.ShapeDtypeStruct((N_NODES, D), jnp.float32)] * 2,
)


def _tc1_body(pa_ref, pb_ref, cnt_ref, b_ref, r_ref, w2r_ref,
              h_ref, r2_ref):
    inv = 1.0 / jnp.maximum(cnt_ref[...][:, :1], 1.0)
    h = jnp.tanh((pa_ref[...] + pb_ref[...]) * inv + b_ref[...] + r_ref[...])
    h_ref[...] = h
    r2_ref[...] = jnp.dot(h, w2r_ref[...], preferred_element_type=jnp.float32)


_tc1 = pl.pallas_call(
    _tc1_body,
    grid=(_GRID,),
    in_specs=[_rows((_R, D)), _rows((_R, D)), _rows((_R, 16)),
              _full((1, D)), _rows((_R, D)), _full((D, 128))],
    out_specs=[_rows((_R, D)), _rows((_R, 128))],
    out_shape=[jax.ShapeDtypeStruct((N_NODES, D), jnp.float32),
               jax.ShapeDtypeStruct((N_NODES, 128), jnp.float32)],
)


def _tc2_body(pa_ref, pb_ref, cnt_ref, w2l_ref, b_ref, r2_ref,
              w3l_ref, w3r_ref, p3_ref, r3_ref):
    inv = 1.0 / jnp.maximum(cnt_ref[...][:, :1], 1.0)
    agg = (pa_ref[...] + pb_ref[...]) * inv
    h2 = jnp.tanh(jnp.dot(agg, w2l_ref[...], preferred_element_type=jnp.float32)
                  + b_ref[...] + r2_ref[...])
    p3_ref[...] = jnp.dot(h2, w3l_ref[...], preferred_element_type=jnp.float32)
    r3_ref[...] = jnp.dot(h2, w3r_ref[...], preferred_element_type=jnp.float32)


_tc2 = pl.pallas_call(
    _tc2_body,
    grid=(_GRID,),
    in_specs=[_rows((_R, D)), _rows((_R, D)), _rows((_R, 16)),
              _full((D, 128)), _full((1, 128)), _rows((_R, 128)),
              _full((128, D)), _full((128, D))],
    out_specs=[_rows((_R, D)), _rows((_R, D))],
    out_shape=[jax.ShapeDtypeStruct((N_NODES, D), jnp.float32)] * 2,
)


def _tc3_body(pa_ref, pb_ref, cnt_ref, b_ref, r3_ref, wf_ref, bf_ref,
              out_ref):
    inv = 1.0 / jnp.maximum(cnt_ref[...][:, :1], 1.0)
    h3 = jnp.tanh((pa_ref[...] + pb_ref[...]) * inv + b_ref[...] + r3_ref[...])
    out_ref[...] = (jnp.dot(h3, wf_ref[...], preferred_element_type=jnp.float32)
                    + bf_ref[...])


_tc3 = pl.pallas_call(
    _tc3_body,
    grid=(_GRID,),
    in_specs=[_rows((_R, D)), _rows((_R, D)), _rows((_R, 16)),
              _full((1, D)), _rows((_R, D)), _full((D, 40)), _full((1, 40))],
    out_specs=_rows((_R, 40)),
    out_shape=jax.ShapeDtypeStruct((N_NODES, 40), jnp.float32),
)


@jax.jit
def kernel(x, edge_index, W1_l, b1, W1_r, W2_l, b2, W2_r, W3_l, b3, W3_r,
           Wf, bf):
    pad = E_PAD - N_EDGES
    src = jnp.concatenate(
        [edge_index[0].astype(jnp.int32), jnp.zeros((pad,), jnp.int32)])
    dst = jnp.concatenate(
        [edge_index[1].astype(jnp.int32),
         jnp.full((pad,), N_NODES, jnp.int32)])

    z64 = jnp.zeros((RPS, D), jnp.float32)
    z16 = jnp.zeros((RPS, 16), jnp.float32)
    ones = jnp.ones((BLK, 16), jnp.float32)

    p1, r1 = _tc0(x, W1_l, W1_r)
    (agg1, cnt2) = _seg_sum_cnt(p1, src, dst, z64, z16, ones)
    cnt = cnt2[0, :N_NODES, :] + cnt2[1, :N_NODES, :]
    h1, r2 = _tc1(agg1[0, :N_NODES], agg1[1, :N_NODES], cnt,
                  b1.reshape(1, D), r1, W2_r)

    (agg2,) = _seg_sum(h1, src, dst, z64)
    p3, r3 = _tc2(agg2[0, :N_NODES], agg2[1, :N_NODES], cnt,
                  W2_l, b2.reshape(1, 128), r2, W3_l, W3_r)

    (agg3,) = _seg_sum(p3, src, dst, z64)
    out = _tc3(agg3[0, :N_NODES], agg3[1, :N_NODES], cnt,
               b3.reshape(1, D), r3, Wf, bf.reshape(1, 40))
    return out

# --- scband reference (transcript-rebuilt; emitter-appended) ---
"""Pipeline reference for scband-graph-sage-15625091022994 (READ-ONLY COPY).

The authoritative reference and input builder live on the scoring server;
editing this copy changes nothing except your own understanding.
"""

import jax, jax.numpy as jnp
import numpy as np

N_NODES = 10000
N_EDGES = 320000
D_IN = 128
NUM_CLASSES = 40


def _glorot(key, shape):
    fan_in, fan_out = shape[0], shape[1]
    limit = float(np.sqrt(6.0 / (fan_in + fan_out)))
    return jax.random.uniform(key, shape, jnp.float32, -limit, limit)


def setup_inputs(seed: int = 0) -> dict:
    key = jax.random.key(seed)
    ks = jax.random.split(key, 12)
    x = jax.random.normal(ks[0], (N_NODES, D_IN), jnp.float32)
    edge_index = jax.random.randint(ks[1], (2, N_EDGES), 0, N_NODES, jnp.int64)
    # SAGEConv layer 1: 128 -> 64
    W1_l = _glorot(ks[2], (D_IN, 64)); b1 = jnp.zeros((64,), jnp.float32)
    W1_r = _glorot(ks[3], (D_IN, 64))
    # SAGEConv layer 2: 64 -> 128
    W2_l = _glorot(ks[4], (64, 128)); b2 = jnp.zeros((128,), jnp.float32)
    W2_r = _glorot(ks[5], (64, 128))
    # SAGEConv layer 3: 128 -> 64
    W3_l = _glorot(ks[6], (128, 64)); b3 = jnp.zeros((64,), jnp.float32)
    W3_r = _glorot(ks[7], (128, 64))
    # final Linear: 64 -> num_classes
    Wf = _glorot(ks[8], (64, NUM_CLASSES)); bf = jnp.zeros((NUM_CLASSES,), jnp.float32)
    return {"x": x, "edge_index": edge_index,
            "W1_l": W1_l, "b1": b1, "W1_r": W1_r,
            "W2_l": W2_l, "b2": b2, "W2_r": W2_r,
            "W3_l": W3_l, "b3": b3, "W3_r": W3_r,
            "Wf": Wf, "bf": bf}


def _sage_conv(x, edge_index, W_l, b, W_r):
    # PyG SAGEConv with mean aggregation:
    # out = lin_l(mean_{j in N(i)} x_j) + lin_r(x_i)
    src = edge_index[0]
    dst = edge_index[1]
    n = x.shape[0]
    msgs = jnp.take(x, src, axis=0)
    agg = jax.ops.segment_sum(msgs, dst, num_segments=n)
    cnt = jax.ops.segment_sum(jnp.ones((src.shape[0],), x.dtype), dst, num_segments=n)
    agg = agg / jnp.clip(cnt, 1.0, None)[:, None]
    return agg @ W_l + b + x @ W_r


def reference(x, edge_index, W1_l, b1, W1_r, W2_l, b2, W2_r, W3_l, b3, W3_r, Wf, bf):
    h = jnp.tanh(_sage_conv(x, edge_index, W1_l, b1, W1_r))
    # dropout(p=0.3) treated as identity for the deterministic reference
    h = jnp.tanh(_sage_conv(h, edge_index, W2_l, b2, W2_r))
    h = jnp.tanh(_sage_conv(h, edge_index, W3_l, b3, W3_r))
    out = h @ Wf + bf
    return out

if __name__ == "__main__":
    import jax
    _d = setup_inputs()
    print(jax.jit(kernel)(*tuple(_d.values())))

</pallas_src>

<mosaic_0001>
#map = affine_map<(d0, d1) -> (0, 0)>
#map1 = affine_map<(d0, d1) -> (0)>
#map2 = affine_map<(d0, d1) -> (0, 0, 0)>
module attributes {stable_mosaic.version = 14 : i64} {
  func.func @_seg_sum_body(%arg0: i32, %arg1: i32, %arg2: memref<10000x64xf32, #tpu.memory_space<hbm>>, %arg3: memref<327680xi32, #tpu.memory_space<hbm>>, %arg4: memref<327680xi32, #tpu.memory_space<hbm>>, %arg5: memref<640x64xf32, #tpu.memory_space<hbm>>, %arg6: memref<640x16xf32, #tpu.memory_space<hbm>>, %arg7: memref<128x16xf32, #tpu.memory_space<hbm>>, %arg8: memref<2x10240x64xf32, #tpu.memory_space<hbm>>, %arg9: memref<2x10240x16xf32, #tpu.memory_space<hbm>>, %arg10: memref<128xi32, #tpu.memory_space<vmem>>, %arg11: memref<128xi32, #tpu.memory_space<vmem>>, %arg12: memref<128x64xf32, #tpu.memory_space<vmem>>, %arg13: memref<128x16xf32, #tpu.memory_space<vmem>>, %arg14: memref<10240x64xf32, #tpu.memory_space<vmem_shared>>, %arg15: memref<10240x16xf32, #tpu.memory_space<vmem_shared>>, %arg16: memref<!tpu.dma_semaphore, #tpu.memory_space<semaphore_mem>>) attributes {dimension_semantics = [#tpu.dimension_semantics<core_parallel>, #tpu.dimension_semantics<subcore_parallel>], iteration_bounds = array<i64: 2, 16>, scalar_prefetch = 0 : i64, scratch_operands = 7 : i64, tpu.core_type = #tpu.core_type<sc_vector_subcore>, window_params = [{transform_indices = #map}, {transform_indices = #map1}, {transform_indices = #map1}, {transform_indices = #map}, {transform_indices = #map}, {transform_indices = #map}, {transform_indices = #map2}, {transform_indices = #map2}]} {
    %mul3A = arith.constant 2 : i32
    %mul3A_0 = arith.muli %arg1, %mul3A : i32
    %add3A = arith.addi %mul3A_0, %arg0 : i32
    %mul3A_1 = arith.constant 640 : i32
    %mul3A_2 = arith.muli %arg1, %mul3A_1 : i32
    "tpu.region"() ({
      %run_scoped3A = tpu.sem_alloc : memref<!tpu.dma_semaphore, #tpu.memory_space<semaphore_mem>>
      %dma_start3A = arith.constant 0 : i32
      %dma_start3A_21 = tpu.memref_slice %arg14[%mul3A_2, %dma_start3A] : memref<10240x64xf32, #tpu.memory_space<vmem_shared>> -> memref<640x64xf32, #tpu.memory_space<vmem_shared>>
      tpu.enqueue_dma source(%arg5 : memref<640x64xf32, #tpu.memory_space<hbm>>) target(%dma_start3A_21 : memref<640x64xf32, #tpu.memory_space<vmem_shared>>) target_semaphore(%run_scoped3A : memref<!tpu.dma_semaphore, #tpu.memory_space<semaphore_mem>>)
      %dma_wait3A = arith.constant 0 : i32
      %dma_wait3A_22 = tpu.memref_slice %arg14[%mul3A_2, %dma_wait3A] : memref<10240x64xf32, #tpu.memory_space<vmem_shared>> -> memref<640x64xf32, #tpu.memory_space<vmem_shared>>
      tpu.wait_dma2 semaphore(%run_scoped3A : memref<!tpu.dma_semaphore, #tpu.memory_space<semaphore_mem>>) src(%arg5 : memref<640x64xf32, #tpu.memory_space<hbm>>) dst(%dma_wait3A_22 : memref<640x64xf32, #tpu.memory_space<vmem_shared>>)
      tpu.yield
    }) : () -> ()
    %mul3A_3 = arith.constant 640 : i32
    %mul3A_4 = arith.muli %arg1, %mul3A_3 : i32
    "tpu.region"() ({
      %run_scoped3A = tpu.sem_alloc : memref<!tpu.dma_semaphore, #tpu.memory_space<semaphore_mem>>
      %dma_start3A = arith.constant 0 : i32
      %dma_start3A_21 = tpu.memref_slice %arg15[%mul3A_4, %dma_start3A] : memref<10240x16xf32, #tpu.memory_space<vmem_shared>> -> memref<640x16xf32, #tpu.memory_space<vmem_shared>>
      tpu.enqueue_dma source(%arg6 : memref<640x16xf32, #tpu.memory_space<hbm>>) target(%dma_start3A_21 : memref<640x16xf32, #tpu.memory_space<vmem_shared>>) target_semaphore(%run_scoped3A : memref<!tpu.dma_semaphore, #tpu.memory_space<semaphore_mem>>)
      %dma_wait3A = arith.constant 0 : i32
      %dma_wait3A_22 = tpu.memref_slice %arg15[%mul3A_4, %dma_wait3A] : memref<10240x16xf32, #tpu.memory_space<vmem_shared>> -> memref<640x16xf32, #tpu.memory_space<vmem_shared>>
      tpu.wait_dma2 semaphore(%run_scoped3A : memref<!tpu.dma_semaphore, #tpu.memory_space<semaphore_mem>>) src(%arg6 : memref<640x16xf32, #tpu.memory_space<hbm>>) dst(%dma_wait3A_22 : memref<640x16xf32, #tpu.memory_space<vmem_shared>>)
      tpu.yield
    }) : () -> ()
    "tpu.region"() ({
      %run_scoped3A = tpu.sem_alloc : memref<!tpu.dma_semaphore, #tpu.memory_space<semaphore_mem>>
      tpu.enqueue_dma source(%arg7 : memref<128x16xf32, #tpu.memory_space<hbm>>) target(%arg13 : memref<128x16xf32, #tpu.memory_space<vmem>>) target_semaphore(%run_scoped3A : memref<!tpu.dma_semaphore, #tpu.memory_space<semaphore_mem>>)
      tpu.wait_dma2 semaphore(%run_scoped3A : memref<!tpu.dma_semaphore, #tpu.memory_space<semaphore_mem>>) src(%arg7 : memref<128x16xf32, #tpu.memory_space<hbm>>) dst(%arg13 : memref<128x16xf32, #tpu.memory_space<vmem>>)
      tpu.yield
    }) : () -> ()
    %barrier3A = arith.constant 0 : index
    tpu.barrier barrier_id(%barrier3A)
    %mul3A_5 = arith.constant 10240 : i32
    %mul3A_6 = arith.muli %add3A, %mul3A_5 : i32
    %scan3A = arith.constant 0 : i32
    %scan3A_7 = arith.constant 0 : i32
    %scan3A_8 = arith.constant 80 : i32
    %scan3A_9 = arith.addi %scan3A_7, %scan3A_8 : i32
    %scan3A_10 = arith.constant 1 : i32
    scf.for %scan3A_21 = %scan3A_7 to %scan3A_9 step %scan3A_10  : i32 {
      %mul3A_22 = arith.constant 128 : i32
      %mul3A_23 = arith.muli %scan3A_21, %mul3A_22 : i32
      %add3A_24 = arith.addi %mul3A_6, %mul3A_23 : i32
      "tpu.region"() ({
        %run_scoped3A = tpu.sem_alloc : memref<!tpu.dma_semaphore, #tpu.memory_space<semaphore_mem>>
        %dma_start3A_29 = tpu.memref_slice %arg3[%add3A_24] : memref<327680xi32, #tpu.memory_space<hbm>> -> memref<128xi32, #tpu.memory_space<hbm>>
        %dma_start3A_30 = tpu.memref_slice %arg3[%add3A_24] : memref<327680xi32, #tpu.memory_space<hbm>> -> memref<128xi32, #tpu.memory_space<hbm>>
        tpu.enqueue_dma source(%dma_start3A_30 : memref<128xi32, #tpu.memory_space<hbm>>) target(%arg10 : memref<128xi32, #tpu.memory_space<vmem>>) target_semaphore(%run_scoped3A : memref<!tpu.dma_semaphore, #tpu.memory_space<semaphore_mem>>)
        %dma_wait3A_31 = tpu.memref_slice %arg3[%add3A_24] : memref<327680xi32, #tpu.memory_space<hbm>> -> memref<128xi32, #tpu.memory_space<hbm>>
        %dma_wait3A_32 = tpu.memref_slice %arg3[%add3A_24] : memref<327680xi32, #tpu.memory_space<hbm>> -> memref<128xi32, #tpu.memory_space<hbm>>
        tpu.wait_dma2 semaphore(%run_scoped3A : memref<!tpu.dma_semaphore, #tpu.memory_space<semaphore_mem>>) src(%dma_wait3A_32 : memref<128xi32, #tpu.memory_space<hbm>>) dst(%arg10 : memref<128xi32, #tpu.memory_space<vmem>>)
        tpu.yield
      }) : () -> ()
      "tpu.region"() ({
        %run_scoped3A = tpu.sem_alloc : memref<!tpu.dma_semaphore, #tpu.memory_space<semaphore_mem>>
        %dma_start3A_29 = tpu.memref_slice %arg4[%add3A_24] : memref<327680xi32, #tpu.memory_space<hbm>> -> memref<128xi32, #tpu.memory_space<hbm>>
        %dma_start3A_30 = tpu.memref_slice %arg4[%add3A_24] : memref<327680xi32, #tpu.memory_space<hbm>> -> memref<128xi32, #tpu.memory_space<hbm>>
        tpu.enqueue_dma source(%dma_start3A_30 : memref<128xi32, #tpu.memory_space<hbm>>) target(%arg11 : memref<128xi32, #tpu.memory_space<vmem>>) target_semaphore(%run_scoped3A : memref<!tpu.dma_semaphore, #tpu.memory_space<semaphore_mem>>)
        %dma_wait3A_31 = tpu.memref_slice %arg4[%add3A_24] : memref<327680xi32, #tpu.memory_space<hbm>> -> memref<128xi32, #tpu.memory_space<hbm>>
        %dma_wait3A_32 = tpu.memref_slice %arg4[%add3A_24] : memref<327680xi32, #tpu.memory_space<hbm>> -> memref<128xi32, #tpu.memory_space<hbm>>
        tpu.wait_dma2 semaphore(%run_scoped3A : memref<!tpu.dma_semaphore, #tpu.memory_space<semaphore_mem>>) src(%dma_wait3A_32 : memref<128xi32, #tpu.memory_space<hbm>>) dst(%arg11 : memref<128xi32, #tpu.memory_space<vmem>>)
        tpu.yield
      }) : () -> ()
      %dma_start3A = arith.constant 0 : i32
      %dma_start3A_25 = arith.constant 0 : i32
      %dma_start3A_26 = tpu.memref_slice %arg2[%dma_start3A, %dma_start3A_25] : memref<10000x64xf32, #tpu.memory_space<hbm>> -> memref<10000x64xf32, #tpu.memory_space<hbm>>
      tpu.enqueue_indirect_dma source(%dma_start3A_26 : memref<10000x64xf32, #tpu.memory_space<hbm>>) target(%arg12 : memref<128x64xf32, #tpu.memory_space<vmem>>) offsets(%arg10 : memref<128xi32, #tpu.memory_space<vmem>>) semaphore(%arg16 : memref<!tpu.dma_semaphore, #tpu.memory_space<semaphore_mem>>)
      %dma_wait3A = arith.constant 0 : i32
      %dma_wait3A_27 = arith.constant 0 : i32
      %dma_wait3A_28 = tpu.memref_slice %arg2[%dma_wait3A, %dma_wait3A_27] : memref<10000x64xf32, #tpu.memory_space<hbm>> -> memref<10000x64xf32, #tpu.memory_space<hbm>>
      tpu.wait_indirect_dma semaphore(%arg16 : memref<!tpu.dma_semaphore, #tpu.memory_space<semaphore_mem>>) src(%dma_wait3A_28 : memref<10000x64xf32, #tpu.memory_space<hbm>>) dst(%arg12 : memref<128x64xf32, #tpu.memory_space<vmem>>)
      "tpu.region"() ({
        %run_scoped3A = tpu.sem_alloc : memref<!tpu.dma_semaphore, #tpu.memory_space<semaphore_mem>>
        %dma_start3A_29 = arith.constant 0 : i32
        %dma_start3A_30 = arith.constant 0 : i32
        %dma_start3A_31 = tpu.memref_slice %arg14[%dma_start3A_29, %dma_start3A_30] : memref<10240x64xf32, #tpu.memory_space<vmem_shared>> -> memref<10240x64xf32, #tpu.memory_space<vmem_shared>>
        tpu.enqueue_indirect_dma source(%arg12 : memref<128x64xf32, #tpu.memory_space<vmem>>) target(%dma_start3A_31 : memref<10240x64xf32, #tpu.memory_space<vmem_shared>>) offsets(%arg11 : memref<128xi32, #tpu.memory_space<vmem>>) semaphore(%run_scoped3A : memref<!tpu.dma_semaphore, #tpu.memory_space<semaphore_mem>>) {add = true}
        %dma_wait3A_32 = arith.constant 0 : i32
        %dma_wait3A_33 = arith.constant 0 : i32
        %dma_wait3A_34 = tpu.memref_slice %arg14[%dma_wait3A_32, %dma_wait3A_33] : memref<10240x64xf32, #tpu.memory_space<vmem_shared>> -> memref<10240x64xf32, #tpu.memory_space<vmem_shared>>
        tpu.wait_indirect_dma semaphore(%run_scoped3A : memref<!tpu.dma_semaphore, #tpu.memory_space<semaphore_mem>>) src(%arg12 : memref<128x64xf32, #tpu.memory_space<vmem>>) dst(%dma_wait3A_34 : memref<10240x64xf32, #tpu.memory_space<vmem_shared>>)
        tpu.yield
      }) : () -> ()
      "tpu.region"() ({
        %run_scoped3A = tpu.sem_alloc : memref<!tpu.dma_semaphore, #tpu.memory_space<semaphore_mem>>
        %dma_start3A_29 = arith.constant 0 : i32
        %dma_start3A_30 = arith.constant 0 : i32
        %dma_start3A_31 = tpu.memref_slice %arg15[%dma_start3A_29, %dma_start3A_30] : memref<10240x16xf32, #tpu.memory_space<vmem_shared>> -> memref<10240x16xf32, #tpu.memory_space<vmem_shared>>
        tpu.enqueue_indirect_dma source(%arg13 : memref<128x16xf32, #tpu.memory_space<vmem>>) target(%dma_start3A_31 : memref<10240x16xf32, #tpu.memory_space<vmem_shared>>) offsets(%arg11 : memref<128xi32, #tpu.memory_space<vmem>>) semaphore(%run_scoped3A : memref<!tpu.dma_semaphore, #tpu.memory_space<semaphore_mem>>) {add = true}
        %dma_wait3A_32 = arith.constant 0 : i32
        %dma_wait3A_33 = arith.constant 0 : i32
        %dma_wait3A_34 = tpu.memref_slice %arg15[%dma_wait3A_32, %dma_wait3A_33] : memref<10240x16xf32, #tpu.memory_space<vmem_shared>> -> memref<10240x16xf32, #tpu.memory_space<vmem_shared>>
        tpu.wait_indirect_dma semaphore(%run_scoped3A : memref<!tpu.dma_semaphore, #tpu.memory_space<semaphore_mem>>) src(%arg13 : memref<128x16xf32, #tpu.memory_space<vmem>>) dst(%dma_wait3A_34 : memref<10240x16xf32, #tpu.memory_space<vmem_shared>>)
        tpu.yield
      }) : () -> ()
    }
    %scan3A_11 = arith.constant 80 : i32
    %barrier3A_12 = arith.constant 0 : index
    tpu.barrier barrier_id(%barrier3A_12)
    %mul3A_13 = arith.constant 640 : i32
    %mul3A_14 = arith.muli %arg1, %mul3A_13 : i32
    %mul3A_15 = arith.constant 640 : i32
    %mul3A_16 = arith.muli %arg1, %mul3A_15 : i32
    "tpu.region"() ({
      %run_scoped3A = tpu.sem_alloc : memref<!tpu.dma_semaphore, #tpu.memory_space<semaphore_mem>>
      %dma_start3A = arith.constant 0 : i32
      %dma_start3A_21 = tpu.memref_slice %arg8[%arg0, %mul3A_16, %dma_start3A] : memref<2x10240x64xf32, #tpu.memory_space<hbm>> -> memref<1x640x64xf32, #tpu.memory_space<hbm>>
      %dma_start3A_22 = tpu.memref_squeeze %dma_start3A_21 : memref<1x640x64xf32, #tpu.memory_space<hbm>> -> memref<640x64xf32, #tpu.memory_space<hbm>>
      %dma_start3A_23 = arith.constant 0 : i32
      %dma_start3A_24 = tpu.memref_slice %arg14[%mul3A_14, %dma_start3A_23] : memref<10240x64xf32, #tpu.memory_space<vmem_shared>> -> memref<640x64xf32, #tpu.memory_space<vmem_shared>>
      tpu.enqueue_dma source(%dma_start3A_24 : memref<640x64xf32, #tpu.memory_space<vmem_shared>>) target(%dma_start3A_22 : memref<640x64xf32, #tpu.memory_space<hbm>>) target_semaphore(%run_scoped3A : memref<!tpu.dma_semaphore, #tpu.memory_space<semaphore_mem>>)
      %dma_wait3A = arith.constant 0 : i32
      %dma_wait3A_25 = tpu.memref_slice %arg8[%arg0, %mul3A_16, %dma_wait3A] : memref<2x10240x64xf32, #tpu.memory_space<hbm>> -> memref<1x640x64xf32, #tpu.memory_space<hbm>>
      %dma_wait3A_26 = tpu.memref_squeeze %dma_wait3A_25 : memref<1x640x64xf32, #tpu.memory_space<hbm>> -> memref<640x64xf32, #tpu.memory_space<hbm>>
      %dma_wait3A_27 = arith.constant 0 : i32
      %dma_wait3A_28 = tpu.memref_slice %arg14[%mul3A_14, %dma_wait3A_27] : memref<10240x64xf32, #tpu.memory_space<vmem_shared>> -> memref<640x64xf32, #tpu.memory_space<vmem_shared>>
      tpu.wait_dma2 semaphore(%run_scoped3A : memref<!tpu.dma_semaphore, #tpu.memory_space<semaphore_mem>>) src(%dma_wait3A_28 : memref<640x64xf32, #tpu.memory_space<vmem_shared>>) dst(%dma_wait3A_26 : memref<640x64xf32, #tpu.memory_space<hbm>>)
      tpu.yield
    }) : () -> ()
    %mul3A_17 = arith.constant 640 : i32
    %mul3A_18 = arith.muli %arg1, %mul3A_17 : i32
    %mul3A_19 = arith.constant 640 : i32
    %mul3A_20 = arith.muli %arg1, %mul3A_19 : i32
    "tpu.region"() ({
      %run_scoped3A = tpu.sem_alloc : memref<!tpu.dma_semaphore, #tpu.memory_space<semaphore_mem>>
      %dma_start3A = arith.constant 0 : i32
      %dma_start3A_21 = tpu.memref_slice %arg9[%arg0, %mul3A_20, %dma_start3A] : memref<2x10240x16xf32, #tpu.memory_space<hbm>> -> memref<1x640x16xf32, #tpu.memory_space<hbm>>
      %dma_start3A_22 = tpu.memref_squeeze %dma_start3A_21 : memref<1x640x16xf32, #tpu.memory_space<hbm>> -> memref<640x16xf32, #tpu.memory_space<hbm>>
      %dma_start3A_23 = arith.constant 0 : i32
      %dma_start3A_24 = tpu.memref_slice %arg15[%mul3A_18, %dma_start3A_23] : memref<10240x16xf32, #tpu.memory_space<vmem_shared>> -> memref<640x16xf32, #tpu.memory_space<vmem_shared>>
      tpu.enqueue_dma source(%dma_start3A_24 : memref<640x16xf32, #tpu.memory_space<vmem_shared>>) target(%dma_start3A_22 : memref<640x16xf32, #tpu.memory_space<hbm>>) target_semaphore(%run_scoped3A : memref<!tpu.dma_semaphore, #tpu.memory_space<semaphore_mem>>)
      %dma_wait3A = arith.constant 0 : i32
      %dma_wait3A_25 = tpu.memref_slice %arg9[%arg0, %mul3A_20, %dma_wait3A] : memref<2x10240x16xf32, #tpu.memory_space<hbm>> -> memref<1x640x16xf32, #tpu.memory_space<hbm>>
      %dma_wait3A_26 = tpu.memref_squeeze %dma_wait3A_25 : memref<1x640x16xf32, #tpu.memory_space<hbm>> -> memref<640x16xf32, #tpu.memory_space<hbm>>
      %dma_wait3A_27 = arith.constant 0 : i32
      %dma_wait3A_28 = tpu.memref_slice %arg15[%mul3A_18, %dma_wait3A_27] : memref<10240x16xf32, #tpu.memory_space<vmem_shared>> -> memref<640x16xf32, #tpu.memory_space<vmem_shared>>
      tpu.wait_dma2 semaphore(%run_scoped3A : memref<!tpu.dma_semaphore, #tpu.memory_space<semaphore_mem>>) src(%dma_wait3A_28 : memref<640x16xf32, #tpu.memory_space<vmem_shared>>) dst(%dma_wait3A_26 : memref<640x16xf32, #tpu.memory_space<hbm>>)
      tpu.yield
    }) : () -> ()
    return
  }
}

#map = affine_map<(d0, d1) -> (0, 0)>
#map1 = affine_map<(d0, d1) -> (0)>
#map2 = affine_map<(d0, d1) -> (0, 0, 0)>
module attributes {stable_mosaic.version = 14 : i64} {
  func.func @_seg_sum_body(%arg0: i32, %arg1: i32, %arg2: memref<10000x64xf32, #tpu.memory_space<hbm>>, %arg3: memref<327680xi32, #tpu.memory_space<hbm>>, %arg4: memref<327680xi32, #tpu.memory_space<hbm>>, %arg5: memref<640x64xf32, #tpu.memory_space<hbm>>, %arg6: memref<2x10240x64xf32, #tpu.memory_space<hbm>>, %arg7: memref<128xi32, #tpu.memory_space<vmem>>, %arg8: memref<128xi32, #tpu.memory_space<vmem>>, %arg9: memref<128x64xf32, #tpu.memory_space<vmem>>, %arg10: memref<10240x64xf32, #tpu.memory_space<vmem_shared>>, %arg11: memref<!tpu.dma_semaphore, #tpu.memory_space<semaphore_mem>>) attributes {dimension_semantics = [#tpu.dimension_semantics<core_parallel>, #tpu.dimension_semantics<subcore_parallel>], iteration_bounds = array<i64: 2, 16>, scalar_prefetch = 0 : i64, scratch_operands = 5 : i64, tpu.core_type = #tpu.core_type<sc_vector_subcore>, window_params = [{transform_indices = #map}, {transform_indices = #map1}, {transform_indices = #map1}, {transform_indices = #map}, {transform_indices = #map2}]} {
    %mul3A = arith.constant 2 : i32
    %mul3A_0 = arith.muli %arg1, %mul3A : i32
    %add3A = arith.addi %mul3A_0, %arg0 : i32
    %mul3A_1 = arith.constant 640 : i32
    %mul3A_2 = arith.muli %arg1, %mul3A_1 : i32
    "tpu.region"() ({
      %run_scoped3A = tpu.sem_alloc : memref<!tpu.dma_semaphore, #tpu.memory_space<semaphore_mem>>
      %dma_start3A = arith.constant 0 : i32
      %dma_start3A_15 = tpu.memref_slice %arg10[%mul3A_2, %dma_start3A] : memref<10240x64xf32, #tpu.memory_space<vmem_shared>> -> memref<640x64xf32, #tpu.memory_space<vmem_shared>>
      tpu.enqueue_dma source(%arg5 : memref<640x64xf32, #tpu.memory_space<hbm>>) target(%dma_start3A_15 : memref<640x64xf32, #tpu.memory_space<vmem_shared>>) target_semaphore(%run_scoped3A : memref<!tpu.dma_semaphore, #tpu.memory_space<semaphore_mem>>)
      %dma_wait3A = arith.constant 0 : i32
      %dma_wait3A_16 = tpu.memref_slice %arg10[%mul3A_2, %dma_wait3A] : memref<10240x64xf32, #tpu.memory_space<vmem_shared>> -> memref<640x64xf32, #tpu.memory_space<vmem_shared>>
      tpu.wait_dma2 semaphore(%run_scoped3A : memref<!tpu.dma_semaphore, #tpu.memory_space<semaphore_mem>>) src(%arg5 : memref<640x64xf32, #tpu.memory_space<hbm>>) dst(%dma_wait3A_16 : memref<640x64xf32, #tpu.memory_space<vmem_shared>>)
      tpu.yield
    }) : () -> ()
    %barrier3A = arith.constant 0 : index
    tpu.barrier barrier_id(%barrier3A)
    %mul3A_3 = arith.constant 10240 : i32
    %mul3A_4 = arith.muli %add3A, %mul3A_3 : i32
    %scan3A = arith.constant 0 : i32
    %scan3A_5 = arith.constant 0 : i32
    %scan3A_6 = arith.constant 80 : i32
    %scan3A_7 = arith.addi %scan3A_5, %scan3A_6 : i32
    %scan3A_8 = arith.constant 1 : i32
    scf.for %scan3A_15 = %scan3A_5 to %scan3A_7 step %scan3A_8  : i32 {
      %mul3A_16 = arith.constant 128 : i32
      %mul3A_17 = arith.muli %scan3A_15, %mul3A_16 : i32
      %add3A_18 = arith.addi %mul3A_4, %mul3A_17 : i32
      "tpu.region"() ({
        %run_scoped3A = tpu.sem_alloc : memref<!tpu.dma_semaphore, #tpu.memory_space<semaphore_mem>>
        %dma_start3A_23 = tpu.memref_slice %arg3[%add3A_18] : memref<327680xi32, #tpu.memory_space<hbm>> -> memref<128xi32, #tpu.memory_space<hbm>>
        %dma_start3A_24 = tpu.memref_slice %arg3[%add3A_18] : memref<327680xi32, #tpu.memory_space<hbm>> -> memref<128xi32, #tpu.memory_space<hbm>>
        tpu.enqueue_dma source(%dma_start3A_24 : memref<128xi32, #tpu.memory_space<hbm>>) target(%arg7 : memref<128xi32, #tpu.memory_space<vmem>>) target_semaphore(%run_scoped3A : memref<!tpu.dma_semaphore, #tpu.memory_space<semaphore_mem>>)
        %dma_wait3A_25 = tpu.memref_slice %arg3[%add3A_18] : memref<327680xi32, #tpu.memory_space<hbm>> -> memref<128xi32, #tpu.memory_space<hbm>>
        %dma_wait3A_26 = tpu.memref_slice %arg3[%add3A_18] : memref<327680xi32, #tpu.memory_space<hbm>> -> memref<128xi32, #tpu.memory_space<hbm>>
        tpu.wait_dma2 semaphore(%run_scoped3A : memref<!tpu.dma_semaphore, #tpu.memory_space<semaphore_mem>>) src(%dma_wait3A_26 : memref<128xi32, #tpu.memory_space<hbm>>) dst(%arg7 : memref<128xi32, #tpu.memory_space<vmem>>)
        tpu.yield
      }) : () -> ()
      "tpu.region"() ({
        %run_scoped3A = tpu.sem_alloc : memref<!tpu.dma_semaphore, #tpu.memory_space<semaphore_mem>>
        %dma_start3A_23 = tpu.memref_slice %arg4[%add3A_18] : memref<327680xi32, #tpu.memory_space<hbm>> -> memref<128xi32, #tpu.memory_space<hbm>>
        %dma_start3A_24 = tpu.memref_slice %arg4[%add3A_18] : memref<327680xi32, #tpu.memory_space<hbm>> -> memref<128xi32, #tpu.memory_space<hbm>>
        tpu.enqueue_dma source(%dma_start3A_24 : memref<128xi32, #tpu.memory_space<hbm>>) target(%arg8 : memref<128xi32, #tpu.memory_space<vmem>>) target_semaphore(%run_scoped3A : memref<!tpu.dma_semaphore, #tpu.memory_space<semaphore_mem>>)
        %dma_wait3A_25 = tpu.memref_slice %arg4[%add3A_18] : memref<327680xi32, #tpu.memory_space<hbm>> -> memref<128xi32, #tpu.memory_space<hbm>>
        %dma_wait3A_26 = tpu.memref_slice %arg4[%add3A_18] : memref<327680xi32, #tpu.memory_space<hbm>> -> memref<128xi32, #tpu.memory_space<hbm>>
        tpu.wait_dma2 semaphore(%run_scoped3A : memref<!tpu.dma_semaphore, #tpu.memory_space<semaphore_mem>>) src(%dma_wait3A_26 : memref<128xi32, #tpu.memory_space<hbm>>) dst(%arg8 : memref<128xi32, #tpu.memory_space<vmem>>)
        tpu.yield
      }) : () -> ()
      %dma_start3A = arith.constant 0 : i32
      %dma_start3A_19 = arith.constant 0 : i32
      %dma_start3A_20 = tpu.memref_slice %arg2[%dma_start3A, %dma_start3A_19] : memref<10000x64xf32, #tpu.memory_space<hbm>> -> memref<10000x64xf32, #tpu.memory_space<hbm>>
      tpu.enqueue_indirect_dma source(%dma_start3A_20 : memref<10000x64xf32, #tpu.memory_space<hbm>>) target(%arg9 : memref<128x64xf32, #tpu.memory_space<vmem>>) offsets(%arg7 : memref<128xi32, #tpu.memory_space<vmem>>) semaphore(%arg11 : memref<!tpu.dma_semaphore, #tpu.memory_space<semaphore_mem>>)
      %dma_wait3A = arith.constant 0 : i32
      %dma_wait3A_21 = arith.constant 0 : i32
      %dma_wait3A_22 = tpu.memref_slice %arg2[%dma_wait3A, %dma_wait3A_21] : memref<10000x64xf32, #tpu.memory_space<hbm>> -> memref<10000x64xf32, #tpu.memory_space<hbm>>
      tpu.wait_indirect_dma semaphore(%arg11 : memref<!tpu.dma_semaphore, #tpu.memory_space<semaphore_mem>>) src(%dma_wait3A_22 : memref<10000x64xf32, #tpu.memory_space<hbm>>) dst(%arg9 : memref<128x64xf32, #tpu.memory_space<vmem>>)
      "tpu.region"() ({
        %run_scoped3A = tpu.sem_alloc : memref<!tpu.dma_semaphore, #tpu.memory_space<semaphore_mem>>
        %dma_start3A_23 = arith.constant 0 : i32
        %dma_start3A_24 = arith.constant 0 : i32
        %dma_start3A_25 = tpu.memref_slice %arg10[%dma_start3A_23, %dma_start3A_24] : memref<10240x64xf32, #tpu.memory_space<vmem_shared>> -> memref<10240x64xf32, #tpu.memory_space<vmem_shared>>
        tpu.enqueue_indirect_dma source(%arg9 : memref<128x64xf32, #tpu.memory_space<vmem>>) target(%dma_start3A_25 : memref<10240x64xf32, #tpu.memory_space<vmem_shared>>) offsets(%arg8 : memref<128xi32, #tpu.memory_space<vmem>>) semaphore(%run_scoped3A : memref<!tpu.dma_semaphore, #tpu.memory_space<semaphore_mem>>) {add = true}
        %dma_wait3A_26 = arith.constant 0 : i32
        %dma_wait3A_27 = arith.constant 0 : i32
        %dma_wait3A_28 = tpu.memref_slice %arg10[%dma_wait3A_26, %dma_wait3A_27] : memref<10240x64xf32, #tpu.memory_space<vmem_shared>> -> memref<10240x64xf32, #tpu.memory_space<vmem_shared>>
        tpu.wait_indirect_dma semaphore(%run_scoped3A : memref<!tpu.dma_semaphore, #tpu.memory_space<semaphore_mem>>) src(%arg9 : memref<128x64xf32, #tpu.memory_space<vmem>>) dst(%dma_wait3A_28 : memref<10240x64xf32, #tpu.memory_space<vmem_shared>>)
        tpu.yield
      }) : () -> ()
    }
    %scan3A_9 = arith.constant 80 : i32
    %barrier3A_10 = arith.constant 0 : index
    tpu.barrier barrier_id(%barrier3A_10)
    %mul3A_11 = arith.constant 640 : i32
    %mul3A_12 = arith.muli %arg1, %mul3A_11 : i32
    %mul3A_13 = arith.constant 640 : i32
    %mul3A_14 = arith.muli %arg1, %mul3A_13 : i32
    "tpu.region"() ({
      %run_scoped3A = tpu.sem_alloc : memref<!tpu.dma_semaphore, #tpu.memory_space<semaphore_mem>>
      %dma_start3A = arith.constant 0 : i32
      %dma_start3A_15 = tpu.memref_slice %arg6[%arg0, %mul3A_14, %dma_start3A] : memref<2x10240x64xf32, #tpu.memory_space<hbm>> -> memref<1x640x64xf32, #tpu.memory_space<hbm>>
      %dma_start3A_16 = tpu.memref_squeeze %dma_start3A_15 : memref<1x640x64xf32, #tpu.memory_space<hbm>> -> memref<640x64xf32, #tpu.memory_space<hbm>>
      %dma_start3A_17 = arith.constant 0 : i32
      %dma_start3A_18 = tpu.memref_slice %arg10[%mul3A_12, %dma_start3A_17] : memref<10240x64xf32, #tpu.memory_space<vmem_shared>> -> memref<640x64xf32, #tpu.memory_space<vmem_shared>>
      tpu.enqueue_dma source(%dma_start3A_18 : memref<640x64xf32, #tpu.memory_space<vmem_shared>>) target(%dma_start3A_16 : memref<640x64xf32, #tpu.memory_space<hbm>>) target_semaphore(%run_scoped3A : memref<!tpu.dma_semaphore, #tpu.memory_space<semaphore_mem>>)
      %dma_wait3A = arith.constant 0 : i32
      %dma_wait3A_19 = tpu.memref_slice %arg6[%arg0, %mul3A_14, %dma_wait3A] : memref<2x10240x64xf32, #tpu.memory_space<hbm>> -> memref<1x640x64xf32, #tpu.memory_space<hbm>>
      %dma_wait3A_20 = tpu.memref_squeeze %dma_wait3A_19 : memref<1x640x64xf32, #tpu.memory_space<hbm>> -> memref<640x64xf32, #tpu.memory_space<hbm>>
      %dma_wait3A_21 = arith.constant 0 : i32
      %dma_wait3A_22 = tpu.memref_slice %arg10[%mul3A_12, %dma_wait3A_21] : memref<10240x64xf32, #tpu.memory_space<vmem_shared>> -> memref<640x64xf32, #tpu.memory_space<vmem_shared>>
      tpu.wait_dma2 semaphore(%run_scoped3A : memref<!tpu.dma_semaphore, #tpu.memory_space<semaphore_mem>>) src(%dma_wait3A_22 : memref<640x64xf32, #tpu.memory_space<vmem_shared>>) dst(%dma_wait3A_20 : memref<640x64xf32, #tpu.memory_space<hbm>>)
      tpu.yield
    }) : () -> ()
    return
  }
}

#map = affine_map<(d0, d1) -> (0, 0)>
#map1 = affine_map<(d0, d1) -> (0)>
#map2 = affine_map<(d0, d1) -> (0, 0, 0)>
module attributes {stable_mosaic.version = 14 : i64} {
  func.func @_seg_sum_body(%arg0: i32, %arg1: i32, %arg2: memref<10000x64xf32, #tpu.memory_space<hbm>>, %arg3: memref<327680xi32, #tpu.memory_space<hbm>>, %arg4: memref<327680xi32, #tpu.memory_space<hbm>>, %arg5: memref<640x64xf32, #tpu.memory_space<hbm>>, %arg6: memref<2x10240x64xf32, #tpu.memory_space<hbm>>, %arg7: memref<128xi32, #tpu.memory_space<vmem>>, %arg8: memref<128xi32, #tpu.memory_space<vmem>>, %arg9: memref<128x64xf32, #tpu.memory_space<vmem>>, %arg10: memref<10240x64xf32, #tpu.memory_space<vmem_shared>>, %arg11: memref<!tpu.dma_semaphore, #tpu.memory_space<semaphore_mem>>) attributes {dimension_semantics = [#tpu.dimension_semantics<core_parallel>, #tpu.dimension_semantics<subcore_parallel>], iteration_bounds = array<i64: 2, 16>, scalar_prefetch = 0 : i64, scratch_operands = 5 : i64, tpu.core_type = #tpu.core_type<sc_vector_subcore>, window_params = [{transform_indices = #map}, {transform_indices = #map1}, {transform_indices = #map1}, {transform_indices = #map}, {transform_indices = #map2}]} {
    %mul3A = arith.constant 2 : i32
    %mul3A_0 = arith.muli %arg1, %mul3A : i32
    %add3A = arith.addi %mul3A_0, %arg0 : i32
    %mul3A_1 = arith.constant 640 : i32
    %mul3A_2 = arith.muli %arg1, %mul3A_1 : i32
    "tpu.region"() ({
      %run_scoped3A = tpu.sem_alloc : memref<!tpu.dma_semaphore, #tpu.memory_space<semaphore_mem>>
      %dma_start3A = arith.constant 0 : i32
      %dma_start3A_15 = tpu.memref_slice %arg10[%mul3A_2, %dma_start3A] : memref<10240x64xf32, #tpu.memory_space<vmem_shared>> -> memref<640x64xf32, #tpu.memory_space<vmem_shared>>
      tpu.enqueue_dma source(%arg5 : memref<640x64xf32, #tpu.memory_space<hbm>>) target(%dma_start3A_15 : memref<640x64xf32, #tpu.memory_space<vmem_shared>>) target_semaphore(%run_scoped3A : memref<!tpu.dma_semaphore, #tpu.memory_space<semaphore_mem>>)
      %dma_wait3A = arith.constant 0 : i32
      %dma_wait3A_16 = tpu.memref_slice %arg10[%mul3A_2, %dma_wait3A] : memref<10240x64xf32, #tpu.memory_space<vmem_shared>> -> memref<640x64xf32, #tpu.memory_space<vmem_shared>>
      tpu.wait_dma2 semaphore(%run_scoped3A : memref<!tpu.dma_semaphore, #tpu.memory_space<semaphore_mem>>) src(%arg5 : memref<640x64xf32, #tpu.memory_space<hbm>>) dst(%dma_wait3A_16 : memref<640x64xf32, #tpu.memory_space<vmem_shared>>)
      tpu.yield
    }) : () -> ()
    %barrier3A = arith.constant 0 : index
    tpu.barrier barrier_id(%barrier3A)
    %mul3A_3 = arith.constant 10240 : i32
    %mul3A_4 = arith.muli %add3A, %mul3A_3 : i32
    %scan3A = arith.constant 0 : i32
    %scan3A_5 = arith.constant 0 : i32
    %scan3A_6 = arith.constant 80 : i32
    %scan3A_7 = arith.addi %scan3A_5, %scan3A_6 : i32
    %scan3A_8 = arith.constant 1 : i32
    scf.for %scan3A_15 = %scan3A_5 to %scan3A_7 step %scan3A_8  : i32 {
      %mul3A_16 = arith.constant 128 : i32
      %mul3A_17 = arith.muli %scan3A_15, %mul3A_16 : i32
      %add3A_18 = arith.addi %mul3A_4, %mul3A_17 : i32
      "tpu.region"() ({
        %run_scoped3A = tpu.sem_alloc : memref<!tpu.dma_semaphore, #tpu.memory_space<semaphore_mem>>
        %dma_start3A_23 = tpu.memref_slice %arg3[%add3A_18] : memref<327680xi32, #tpu.memory_space<hbm>> -> memref<128xi32, #tpu.memory_space<hbm>>
        %dma_start3A_24 = tpu.memref_slice %arg3[%add3A_18] : memref<327680xi32, #tpu.memory_space<hbm>> -> memref<128xi32, #tpu.memory_space<hbm>>
        tpu.enqueue_dma source(%dma_start3A_24 : memref<128xi32, #tpu.memory_space<hbm>>) target(%arg7 : memref<128xi32, #tpu.memory_space<vmem>>) target_semaphore(%run_scoped3A : memref<!tpu.dma_semaphore, #tpu.memory_space<semaphore_mem>>)
        %dma_wait3A_25 = tpu.memref_slice %arg3[%add3A_18] : memref<327680xi32, #tpu.memory_space<hbm>> -> memref<128xi32, #tpu.memory_space<hbm>>
        %dma_wait3A_26 = tpu.memref_slice %arg3[%add3A_18] : memref<327680xi32, #tpu.memory_space<hbm>> -> memref<128xi32, #tpu.memory_space<hbm>>
        tpu.wait_dma2 semaphore(%run_scoped3A : memref<!tpu.dma_semaphore, #tpu.memory_space<semaphore_mem>>) src(%dma_wait3A_26 : memref<128xi32, #tpu.memory_space<hbm>>) dst(%arg7 : memref<128xi32, #tpu.memory_space<vmem>>)
        tpu.yield
      }) : () -> ()
      "tpu.region"() ({
        %run_scoped3A = tpu.sem_alloc : memref<!tpu.dma_semaphore, #tpu.memory_space<semaphore_mem>>
        %dma_start3A_23 = tpu.memref_slice %arg4[%add3A_18] : memref<327680xi32, #tpu.memory_space<hbm>> -> memref<128xi32, #tpu.memory_space<hbm>>
        %dma_start3A_24 = tpu.memref_slice %arg4[%add3A_18] : memref<327680xi32, #tpu.memory_space<hbm>> -> memref<128xi32, #tpu.memory_space<hbm>>
        tpu.enqueue_dma source(%dma_start3A_24 : memref<128xi32, #tpu.memory_space<hbm>>) target(%arg8 : memref<128xi32, #tpu.memory_space<vmem>>) target_semaphore(%run_scoped3A : memref<!tpu.dma_semaphore, #tpu.memory_space<semaphore_mem>>)
        %dma_wait3A_25 = tpu.memref_slice %arg4[%add3A_18] : memref<327680xi32, #tpu.memory_space<hbm>> -> memref<128xi32, #tpu.memory_space<hbm>>
        %dma_wait3A_26 = tpu.memref_slice %arg4[%add3A_18] : memref<327680xi32, #tpu.memory_space<hbm>> -> memref<128xi32, #tpu.memory_space<hbm>>
        tpu.wait_dma2 semaphore(%run_scoped3A : memref<!tpu.dma_semaphore, #tpu.memory_space<semaphore_mem>>) src(%dma_wait3A_26 : memref<128xi32, #tpu.memory_space<hbm>>) dst(%arg8 : memref<128xi32, #tpu.memory_space<vmem>>)
        tpu.yield
      }) : () -> ()
      %dma_start3A = arith.constant 0 : i32
      %dma_start3A_19 = arith.constant 0 : i32
      %dma_start3A_20 = tpu.memref_slice %arg2[%dma_start3A, %dma_start3A_19] : memref<10000x64xf32, #tpu.memory_space<hbm>> -> memref<10000x64xf32, #tpu.memory_space<hbm>>
      tpu.enqueue_indirect_dma source(%dma_start3A_20 : memref<10000x64xf32, #tpu.memory_space<hbm>>) target(%arg9 : memref<128x64xf32, #tpu.memory_space<vmem>>) offsets(%arg7 : memref<128xi32, #tpu.memory_space<vmem>>) semaphore(%arg11 : memref<!tpu.dma_semaphore, #tpu.memory_space<semaphore_mem>>)
      %dma_wait3A = arith.constant 0 : i32
      %dma_wait3A_21 = arith.constant 0 : i32
      %dma_wait3A_22 = tpu.memref_slice %arg2[%dma_wait3A, %dma_wait3A_21] : memref<10000x64xf32, #tpu.memory_space<hbm>> -> memref<10000x64xf32, #tpu.memory_space<hbm>>
      tpu.wait_indirect_dma semaphore(%arg11 : memref<!tpu.dma_semaphore, #tpu.memory_space<semaphore_mem>>) src(%dma_wait3A_22 : memref<10000x64xf32, #tpu.memory_space<hbm>>) dst(%arg9 : memref<128x64xf32, #tpu.memory_space<vmem>>)
      "tpu.region"() ({
        %run_scoped3A = tpu.sem_alloc : memref<!tpu.dma_semaphore, #tpu.memory_space<semaphore_mem>>
        %dma_start3A_23 = arith.constant 0 : i32
        %dma_start3A_24 = arith.constant 0 : i32
        %dma_start3A_25 = tpu.memref_slice %arg10[%dma_start3A_23, %dma_start3A_24] : memref<10240x64xf32, #tpu.memory_space<vmem_shared>> -> memref<10240x64xf32, #tpu.memory_space<vmem_shared>>
        tpu.enqueue_indirect_dma source(%arg9 : memref<128x64xf32, #tpu.memory_space<vmem>>) target(%dma_start3A_25 : memref<10240x64xf32, #tpu.memory_space<vmem_shared>>) offsets(%arg8 : memref<128xi32, #tpu.memory_space<vmem>>) semaphore(%run_scoped3A : memref<!tpu.dma_semaphore, #tpu.memory_space<semaphore_mem>>) {add = true}
        %dma_wait3A_26 = arith.constant 0 : i32
        %dma_wait3A_27 = arith.constant 0 : i32
        %dma_wait3A_28 = tpu.memref_slice %arg10[%dma_wait3A_26, %dma_wait3A_27] : memref<10240x64xf32, #tpu.memory_space<vmem_shared>> -> memref<10240x64xf32, #tpu.memory_space<vmem_shared>>
        tpu.wait_indirect_dma semaphore(%run_scoped3A : memref<!tpu.dma_semaphore, #tpu.memory_space<semaphore_mem>>) src(%arg9 : memref<128x64xf32, #tpu.memory_space<vmem>>) dst(%dma_wait3A_28 : memref<10240x64xf32, #tpu.memory_space<vmem_shared>>)
        tpu.yield
      }) : () -> ()
    }
    %scan3A_9 = arith.constant 80 : i32
    %barrier3A_10 = arith.constant 0 : index
    tpu.barrier barrier_id(%barrier3A_10)
    %mul3A_11 = arith.constant 640 : i32
    %mul3A_12 = arith.muli %arg1, %mul3A_11 : i32
    %mul3A_13 = arith.constant 640 : i32
    %mul3A_14 = arith.muli %arg1, %mul3A_13 : i32
    "tpu.region"() ({
      %run_scoped3A = tpu.sem_alloc : memref<!tpu.dma_semaphore, #tpu.memory_space<semaphore_mem>>
      %dma_start3A = arith.constant 0 : i32
      %dma_start3A_15 = tpu.memref_slice %arg6[%arg0, %mul3A_14, %dma_start3A] : memref<2x10240x64xf32, #tpu.memory_space<hbm>> -> memref<1x640x64xf32, #tpu.memory_space<hbm>>
      %dma_start3A_16 = tpu.memref_squeeze %dma_start3A_15 : memref<1x640x64xf32, #tpu.memory_space<hbm>> -> memref<640x64xf32, #tpu.memory_space<hbm>>
      %dma_start3A_17 = arith.constant 0 : i32
      %dma_start3A_18 = tpu.memref_slice %arg10[%mul3A_12, %dma_start3A_17] : memref<10240x64xf32, #tpu.memory_space<vmem_shared>> -> memref<640x64xf32, #tpu.memory_space<vmem_shared>>
      tpu.enqueue_dma source(%dma_start3A_18 : memref<640x64xf32, #tpu.memory_space<vmem_shared>>) target(%dma_start3A_16 : memref<640x64xf32, #tpu.memory_space<hbm>>) target_semaphore(%run_scoped3A : memref<!tpu.dma_semaphore, #tpu.memory_space<semaphore_mem>>)
      %dma_wait3A = arith.constant 0 : i32
      %dma_wait3A_19 = tpu.memref_slice %arg6[%arg0, %mul3A_14, %dma_wait3A] : memref<2x10240x64xf32, #tpu.memory_space<hbm>> -> memref<1x640x64xf32, #tpu.memory_space<hbm>>
      %dma_wait3A_20 = tpu.memref_squeeze %dma_wait3A_19 : memref<1x640x64xf32, #tpu.memory_space<hbm>> -> memref<640x64xf32, #tpu.memory_space<hbm>>
      %dma_wait3A_21 = arith.constant 0 : i32
      %dma_wait3A_22 = tpu.memref_slice %arg10[%mul3A_12, %dma_wait3A_21] : memref<10240x64xf32, #tpu.memory_space<vmem_shared>> -> memref<640x64xf32, #tpu.memory_space<vmem_shared>>
      tpu.wait_dma2 semaphore(%run_scoped3A : memref<!tpu.dma_semaphore, #tpu.memory_space<semaphore_mem>>) src(%dma_wait3A_22 : memref<640x64xf32, #tpu.memory_space<vmem_shared>>) dst(%dma_wait3A_20 : memref<640x64xf32, #tpu.memory_space<hbm>>)
      tpu.yield
    }) : () -> ()
    return
  }
}

module attributes {stable_mosaic.version = 14 : i64} {
  func.func @_tc0_body(%arg0: i32, %arg1: memref<2000x128xf32, #tpu.memory_space<vmem>>, %arg2: memref<128x64xf32, #tpu.memory_space<vmem>>, %arg3: memref<128x64xf32, #tpu.memory_space<vmem>>, %arg4: memref<2000x64xf32, #tpu.memory_space<vmem>>, %arg5: memref<2000x64xf32, #tpu.memory_space<vmem>>) attributes {dimension_semantics = [#tpu.dimension_semantics<arbitrary>], iteration_bounds = array<i64: 5>, scalar_prefetch = 0 : i64, scratch_operands = 0 : i64, tpu.core_type = #tpu.core_type<tc>, window_params = [{transform_indices = @transform_0, window_bounds = array<i64: 2000, 128>}, {pipeline_mode = #tpu.pipeline_mode<synchronous>, transform_indices = @transform_1, window_bounds = array<i64: 128, 64>}, {pipeline_mode = #tpu.pipeline_mode<synchronous>, transform_indices = @transform_2, window_bounds = array<i64: 128, 64>}, {transform_indices = @transform_3, window_bounds = array<i64: 2000, 64>}, {transform_indices = @transform_4, window_bounds = array<i64: 2000, 64>}]} {
    %get3A = arith.constant 0 : index
    %get3A_0 = arith.constant 0 : index
    %get3A_1 = vector.load %arg1[%get3A, %get3A_0] : memref<2000x128xf32, #tpu.memory_space<vmem>>, vector<2000x128xf32>
    %get3A_2 = arith.constant 0 : index
    %get3A_3 = arith.constant 0 : index
    %get3A_4 = vector.load %arg2[%get3A_2, %get3A_3] : memref<128x64xf32, #tpu.memory_space<vmem>>, vector<128x64xf32>
    %dot_general3A = arith.constant dense<0.000000e+00> : vector<2000x64xf32>
    %dot_general3A_5 = tpu.matmul %get3A_1, %get3A_4, %dot_general3A {dimension_numbers = #tpu.dot_dimension_numbers<[1], [0], [0], [1], [0, 0, 1, 1], [], []>, transpose_lhs_hint = false} : vector<2000x128xf32>, vector<128x64xf32>, vector<2000x64xf32> -> vector<2000x64xf32>
    %swap3A = arith.constant 0 : index
    %swap3A_6 = arith.constant 0 : index
    %swap3A_7 = vector.load %arg4[%swap3A, %swap3A_6] : memref<2000x64xf32, #tpu.memory_space<vmem>>, vector<2000x64xf32>
    tpu.vector_store %arg4[%swap3A, %swap3A_6], %dot_general3A_5 {strides = array<i32>} : memref<2000x64xf32, #tpu.memory_space<vmem>>, vector<2000x64xf32>,
    %get3A_8 = arith.constant 0 : index
    %get3A_9 = arith.constant 0 : index
    %get3A_10 = vector.load %arg3[%get3A_8, %get3A_9] : memref<128x64xf32, #tpu.memory_space<vmem>>, vector<128x64xf32>
    %dot_general3A_11 = arith.constant dense<0.000000e+00> : vector<2000x64xf32>
    %dot_general3A_12 = tpu.matmul %get3A_1, %get3A_10, %dot_general3A_11 {dimension_numbers = #tpu.dot_dimension_numbers<[1], [0], [0], [1], [0, 0, 1, 1], [], []>, transpose_lhs_hint = false} : vector<2000x128xf32>, vector<128x64xf32>, vector<2000x64xf32> -> vector<2000x64xf32>
    %swap3A_13 = arith.constant 0 : index
    %swap3A_14 = arith.constant 0 : index
    %swap3A_15 = vector.load %arg5[%swap3A_13, %swap3A_14] : memref<2000x64xf32, #tpu.memory_space<vmem>>, vector<2000x64xf32>
    tpu.vector_store %arg5[%swap3A_13, %swap3A_14], %dot_general3A_12 {strides = array<i32>} : memref<2000x64xf32, #tpu.memory_space<vmem>>, vector<2000x64xf32>,
    return
  }
  func.func @transform_0(%arg0: i32) -> (i32, i32) {
    %c0_i32 = arith.constant 0 : i32
    %c0_i32_0 = arith.constant 0 : i32
    return %arg0, %c0_i32 : i32, i32
  }
  func.func @transform_1(%arg0: i32) -> (i32, i32) {
    %c0_i32 = arith.constant 0 : i32
    %c0_i32_0 = arith.constant 0 : i32
    %c0_i32_1 = arith.constant 0 : i32
    return %c0_i32, %c0_i32_0 : i32, i32
  }
  func.func @transform_2(%arg0: i32) -> (i32, i32) {
    %c0_i32 = arith.constant 0 : i32
    %c0_i32_0 = arith.constant 0 : i32
    %c0_i32_1 = arith.constant 0 : i32
    return %c0_i32, %c0_i32_0 : i32, i32
  }
  func.func @transform_3(%arg0: i32) -> (i32, i32) {
    %c0_i32 = arith.constant 0 : i32
    %c0_i32_0 = arith.constant 0 : i32
    return %arg0, %c0_i32 : i32, i32
  }
  func.func @transform_4(%arg0: i32) -> (i32, i32) {
    %c0_i32 = arith.constant 0 : i32
    %c0_i32_0 = arith.constant 0 : i32
    return %arg0, %c0_i32 : i32, i32
  }
}

module attributes {stable_mosaic.version = 14 : i64} {
  func.func @_tc1_body(%arg0: i32, %arg1: memref<2000x64xf32, #tpu.memory_space<vmem>>, %arg2: memref<2000x64xf32, #tpu.memory_space<vmem>>, %arg3: memref<2000x16xf32, #tpu.memory_space<vmem>>, %arg4: memref<1x64xf32, #tpu.memory_space<vmem>>, %arg5: memref<2000x64xf32, #tpu.memory_space<vmem>>, %arg6: memref<64x128xf32, #tpu.memory_space<vmem>>, %arg7: memref<2000x64xf32, #tpu.memory_space<vmem>>, %arg8: memref<2000x128xf32, #tpu.memory_space<vmem>>) attributes {dimension_semantics = [#tpu.dimension_semantics<arbitrary>], iteration_bounds = array<i64: 5>, scalar_prefetch = 0 : i64, scratch_operands = 0 : i64, tpu.core_type = #tpu.core_type<tc>, window_params = [{transform_indices = @transform_0, window_bounds = array<i64: 2000, 64>}, {transform_indices = @transform_1, window_bounds = array<i64: 2000, 64>}, {transform_indices = @transform_2, window_bounds = array<i64: 2000, 16>}, {pipeline_mode = #tpu.pipeline_mode<synchronous>, transform_indices = @transform_3, window_bounds = array<i64: 1, 64>}, {transform_indices = @transform_4, window_bounds = array<i64: 2000, 64>}, {pipeline_mode = #tpu.pipeline_mode<synchronous>, transform_indices = @transform_5, window_bounds = array<i64: 64, 128>}, {transform_indices = @transform_6, window_bounds = array<i64: 2000, 64>}, {transform_indices = @transform_7, window_bounds = array<i64: 2000, 128>}]} {
    %get3A = arith.constant 0 : index
    %get3A_0 = arith.constant 0 : index
    %get3A_1 = vector.load %arg3[%get3A, %get3A_0] : memref<2000x16xf32, #tpu.memory_space<vmem>>, vector<2000x16xf32>
    %slice3A = vector.extract_strided_slice %get3A_1 {offsets = [0, 0], sizes = [2000, 1], strides = [1, 1]} : vector<2000x16xf32> to vector<2000x1xf32>
    %max3A = arith.constant 1.000000e+00 : f32
    %max3A_2 = vector.broadcast %max3A : f32 to vector<2000x1xf32>
    %max3A_3 = arith.maximumf %slice3A, %max3A_2 : vector<2000x1xf32>
    %div3A = arith.constant 1.000000e+00 : f32
    %div3A_4 = vector.broadcast %div3A : f32 to vector<2000x1xf32>
    %div3A_5 = arith.divf %div3A_4, %max3A_3 : vector<2000x1xf32>
    %get3A_6 = arith.constant 0 : index
    %get3A_7 = arith.constant 0 : index
    %get3A_8 = vector.load %arg1[%get3A_6, %get3A_7] : memref<2000x64xf32, #tpu.memory_space<vmem>>, vector<2000x64xf32>
    %get3A_9 = arith.constant 0 : index
    %get3A_10 = arith.constant 0 : index
    %get3A_11 = vector.load %arg2[%get3A_9, %get3A_10] : memref<2000x64xf32, #tpu.memory_space<vmem>>, vector<2000x64xf32>
    %add3A = arith.addf %get3A_8, %get3A_11 : vector<2000x64xf32>
    %mul3A = vector.broadcast %div3A_5 : vector<2000x1xf32> to vector<2000x64xf32>
    %mul3A_12 = arith.mulf %add3A, %mul3A : vector<2000x64xf32>
    %get3A_13 = arith.constant 0 : index
    %get3A_14 = arith.constant 0 : index
    %get3A_15 = vector.load %arg4[%get3A_13, %get3A_14] : memref<1x64xf32, #tpu.memory_space<vmem>>, vector<1x64xf32>
    %add3A_16 = vector.broadcast %get3A_15 : vector<1x64xf32> to vector<2000x64xf32>
    %add3A_17 = arith.addf %mul3A_12, %add3A_16 : vector<2000x64xf32>
    %get3A_18 = arith.constant 0 : index
    %get3A_19 = arith.constant 0 : index
    %get3A_20 = vector.load %arg5[%get3A_18, %get3A_19] : memref<2000x64xf32, #tpu.memory_space<vmem>>, vector<2000x64xf32>
    %add3A_21 = arith.addf %add3A_17, %get3A_20 : vector<2000x64xf32>
    %tanh3A = math.tanh %add3A_21 : vector<2000x64xf32>
    %swap3A = arith.constant 0 : index
    %swap3A_22 = arith.constant 0 : index
    %swap3A_23 = vector.load %arg7[%swap3A, %swap3A_22] : memref<2000x64xf32, #tpu.memory_space<vmem>>, vector<2000x64xf32>
    tpu.vector_store %arg7[%swap3A, %swap3A_22], %tanh3A {strides = array<i32>} : memref<2000x64xf32, #tpu.memory_space<vmem>>, vector<2000x64xf32>,
    %get3A_24 = arith.constant 0 : index
    %get3A_25 = arith.constant 0 : index
    %get3A_26 = vector.load %arg6[%get3A_24, %get3A_25] : memref<64x128xf32, #tpu.memory_space<vmem>>, vector<64x128xf32>
    %dot_general3A = arith.constant dense<0.000000e+00> : vector<2000x128xf32>
    %dot_general3A_27 = tpu.matmul %tanh3A, %get3A_26, %dot_general3A {dimension_numbers = #tpu.dot_dimension_numbers<[1], [0], [0], [1], [0, 0, 1, 1], [], []>, transpose_lhs_hint = false} : vector<2000x64xf32>, vector<64x128xf32>, vector<2000x128xf32> -> vector<2000x128xf32>
    %swap3A_28 = arith.constant 0 : index
    %swap3A_29 = arith.constant 0 : index
    %swap3A_30 = vector.load %arg8[%swap3A_28, %swap3A_29] : memref<2000x128xf32, #tpu.memory_space<vmem>>, vector<2000x128xf32>
    tpu.vector_store %arg8[%swap3A_28, %swap3A_29], %dot_general3A_27 {strides = array<i32>} : memref<2000x128xf32, #tpu.memory_space<vmem>>, vector<2000x128xf32>,
    return
  }
  func.func @transform_0(%arg0: i32) -> (i32, i32) {
    %c0_i32 = arith.constant 0 : i32
    %c0_i32_0 = arith.constant 0 : i32
    return %arg0, %c0_i32 : i32, i32
  }
  func.func @transform_1(%arg0: i32) -> (i32, i32) {
    %c0_i32 = arith.constant 0 : i32
    %c0_i32_0 = arith.constant 0 : i32
    return %arg0, %c0_i32 : i32, i32
  }
  func.func @transform_2(%arg0: i32) -> (i32, i32) {
    %c0_i32 = arith.constant 0 : i32
    %c0_i32_0 = arith.constant 0 : i32
    return %arg0, %c0_i32 : i32, i32
  }
  func.func @transform_3(%arg0: i32) -> (i32, i32) {
    %c0_i32 = arith.constant 0 : i32
    %c0_i32_0 = arith.constant 0 : i32
    %c0_i32_1 = arith.constant 0 : i32
    return %c0_i32, %c0_i32_0 : i32, i32
  }
  func.func @transform_4(%arg0: i32) -> (i32, i32) {
    %c0_i32 = arith.constant 0 : i32
    %c0_i32_0 = arith.constant 0 : i32
    return %arg0, %c0_i32 : i32, i32
  }
  func.func @transform_5(%arg0: i32) -> (i32, i32) {
    %c0_i32 = arith.constant 0 : i32
    %c0_i32_0 = arith.constant 0 : i32
    %c0_i32_1 = arith.constant 0 : i32
    return %c0_i32, %c0_i32_0 : i32, i32
  }
  func.func @transform_6(%arg0: i32) -> (i32, i32) {
    %c0_i32 = arith.constant 0 : i32
    %c0_i32_0 = arith.constant 0 : i32
    return %arg0, %c0_i32 : i32, i32
  }
  func.func @transform_7(%arg0: i32) -> (i32, i32) {
    %c0_i32 = arith.constant 0 : i32
    %c0_i32_0 = arith.constant 0 : i32
    return %arg0, %c0_i32 : i32, i32
  }
}

module attributes {stable_mosaic.version = 14 : i64} {
  func.func @_tc2_body(%arg0: i32, %arg1: memref<2000x64xf32, #tpu.memory_space<vmem>>, %arg2: memref<2000x64xf32, #tpu.memory_space<vmem>>, %arg3: memref<2000x16xf32, #tpu.memory_space<vmem>>, %arg4: memref<64x128xf32, #tpu.memory_space<vmem>>, %arg5: memref<1x128xf32, #tpu.memory_space<vmem>>, %arg6: memref<2000x128xf32, #tpu.memory_space<vmem>>, %arg7: memref<128x64xf32, #tpu.memory_space<vmem>>, %arg8: memref<128x64xf32, #tpu.memory_space<vmem>>, %arg9: memref<2000x64xf32, #tpu.memory_space<vmem>>, %arg10: memref<2000x64xf32, #tpu.memory_space<vmem>>) attributes {dimension_semantics = [#tpu.dimension_semantics<arbitrary>], iteration_bounds = array<i64: 5>, scalar_prefetch = 0 : i64, scratch_operands = 0 : i64, tpu.core_type = #tpu.core_type<tc>, window_params = [{transform_indices = @transform_0, window_bounds = array<i64: 2000, 64>}, {transform_indices = @transform_1, window_bounds = array<i64: 2000, 64>}, {transform_indices = @transform_2, window_bounds = array<i64: 2000, 16>}, {pipeline_mode = #tpu.pipeline_mode<synchronous>, transform_indices = @transform_3, window_bounds = array<i64: 64, 128>}, {pipeline_mode = #tpu.pipeline_mode<synchronous>, transform_indices = @transform_4, window_bounds = array<i64: 1, 128>}, {transform_indices = @transform_5, window_bounds = array<i64: 2000, 128>}, {pipeline_mode = #tpu.pipeline_mode<synchronous>, transform_indices = @transform_6, window_bounds = array<i64: 128, 64>}, {pipeline_mode = #tpu.pipeline_mode<synchronous>, transform_indices = @transform_7, window_bounds = array<i64: 128, 64>}, {transform_indices = @transform_8, window_bounds = array<i64: 2000, 64>}, {transform_indices = @transform_9, window_bounds = array<i64: 2000, 64>}]} {
    %get3A = arith.constant 0 : index
    %get3A_0 = arith.constant 0 : index
    %get3A_1 = vector.load %arg3[%get3A, %get3A_0] : memref<2000x16xf32, #tpu.memory_space<vmem>>, vector<2000x16xf32>
    %slice3A = vector.extract_strided_slice %get3A_1 {offsets = [0, 0], sizes = [2000, 1], strides = [1, 1]} : vector<2000x16xf32> to vector<2000x1xf32>
    %max3A = arith.constant 1.000000e+00 : f32
    %max3A_2 = vector.broadcast %max3A : f32 to vector<2000x1xf32>
    %max3A_3 = arith.maximumf %slice3A, %max3A_2 : vector<2000x1xf32>
    %div3A = arith.constant 1.000000e+00 : f32
    %div3A_4 = vector.broadcast %div3A : f32 to vector<2000x1xf32>
    %div3A_5 = arith.divf %div3A_4, %max3A_3 : vector<2000x1xf32>
    %get3A_6 = arith.constant 0 : index
    %get3A_7 = arith.constant 0 : index
    %get3A_8 = vector.load %arg1[%get3A_6, %get3A_7] : memref<2000x64xf32, #tpu.memory_space<vmem>>, vector<2000x64xf32>
    %get3A_9 = arith.constant 0 : index
    %get3A_10 = arith.constant 0 : index
    %get3A_11 = vector.load %arg2[%get3A_9, %get3A_10] : memref<2000x64xf32, #tpu.memory_space<vmem>>, vector<2000x64xf32>
    %add3A = arith.addf %get3A_8, %get3A_11 : vector<2000x64xf32>
    %mul3A = vector.broadcast %div3A_5 : vector<2000x1xf32> to vector<2000x64xf32>
    %mul3A_12 = arith.mulf %add3A, %mul3A : vector<2000x64xf32>
    %get3A_13 = arith.constant 0 : index
    %get3A_14 = arith.constant 0 : index
    %get3A_15 = vector.load %arg4[%get3A_13, %get3A_14] : memref<64x128xf32, #tpu.memory_space<vmem>>, vector<64x128xf32>
    %dot_general3A = arith.constant dense<0.000000e+00> : vector<2000x128xf32>
    %dot_general3A_16 = tpu.matmul %mul3A_12, %get3A_15, %dot_general3A {dimension_numbers = #tpu.dot_dimension_numbers<[1], [0], [0], [1], [0, 0, 1, 1], [], []>, transpose_lhs_hint = false} : vector<2000x64xf32>, vector<64x128xf32>, vector<2000x128xf32> -> vector<2000x128xf32>
    %get3A_17 = arith.constant 0 : index
    %get3A_18 = arith.constant 0 : index
    %get3A_19 = vector.load %arg5[%get3A_17, %get3A_18] : memref<1x128xf32, #tpu.memory_space<vmem>>, vector<1x128xf32>
    %add3A_20 = vector.broadcast %get3A_19 : vector<1x128xf32> to vector<2000x128xf32>
    %add3A_21 = arith.addf %dot_general3A_16, %add3A_20 : vector<2000x128xf32>
    %get3A_22 = arith.constant 0 : index
    %get3A_23 = arith.constant 0 : index
    %get3A_24 = vector.load %arg6[%get3A_22, %get3A_23] : memref<2000x128xf32, #tpu.memory_space<vmem>>, vector<2000x128xf32>
    %add3A_25 = arith.addf %add3A_21, %get3A_24 : vector<2000x128xf32>
    %tanh3A = math.tanh %add3A_25 : vector<2000x128xf32>
    %get3A_26 = arith.constant 0 : index
    %get3A_27 = arith.constant 0 : index
    %get3A_28 = vector.load %arg7[%get3A_26, %get3A_27] : memref<128x64xf32, #tpu.memory_space<vmem>>, vector<128x64xf32>
    %dot_general3A_29 = arith.constant dense<0.000000e+00> : vector<2000x64xf32>
    %dot_general3A_30 = tpu.matmul %tanh3A, %get3A_28, %dot_general3A_29 {dimension_numbers = #tpu.dot_dimension_numbers<[1], [0], [0], [1], [0, 0, 1, 1], [], []>, transpose_lhs_hint = false} : vector<2000x128xf32>, vector<128x64xf32>, vector<2000x64xf32> -> vector<2000x64xf32>
    %swap3A = arith.constant 0 : index
    %swap3A_31 = arith.constant 0 : index
    %swap3A_32 = vector.load %arg9[%swap3A, %swap3A_31] : memref<2000x64xf32, #tpu.memory_space<vmem>>, vector<2000x64xf32>
    tpu.vector_store %arg9[%swap3A, %swap3A_31], %dot_general3A_30 {strides = array<i32>} : memref<2000x64xf32, #tpu.memory_space<vmem>>, vector<2000x64xf32>,
    %get3A_33 = arith.constant 0 : index
    %get3A_34 = arith.constant 0 : index
    %get3A_35 = vector.load %arg8[%get3A_33, %get3A_34] : memref<128x64xf32, #tpu.memory_space<vmem>>, vector<128x64xf32>
    %dot_general3A_36 = arith.constant dense<0.000000e+00> : vector<2000x64xf32>
    %dot_general3A_37 = tpu.matmul %tanh3A, %get3A_35, %dot_general3A_36 {dimension_numbers = #tpu.dot_dimension_numbers<[1], [0], [0], [1], [0, 0, 1, 1], [], []>, transpose_lhs_hint = false} : vector<2000x128xf32>, vector<128x64xf32>, vector<2000x64xf32> -> vector<2000x64xf32>
    %swap3A_38 = arith.constant 0 : index
    %swap3A_39 = arith.constant 0 : index
    %swap3A_40 = vector.load %arg10[%swap3A_38, %swap3A_39] : memref<2000x64xf32, #tpu.memory_space<vmem>>, vector<2000x64xf32>
    tpu.vector_store %arg10[%swap3A_38, %swap3A_39], %dot_general3A_37 {strides = array<i32>} : memref<2000x64xf32, #tpu.memory_space<vmem>>, vector<2000x64xf32>,
    return
  }
  func.func @transform_0(%arg0: i32) -> (i32, i32) {
    %c0_i32 = arith.constant 0 : i32
    %c0_i32_0 = arith.constant 0 : i32
    return %arg0, %c0_i32 : i32, i32
  }
  func.func @transform_1(%arg0: i32) -> (i32, i32) {
    %c0_i32 = arith.constant 0 : i32
    %c0_i32_0 = arith.constant 0 : i32
    return %arg0, %c0_i32 : i32, i32
  }
  func.func @transform_2(%arg0: i32) -> (i32, i32) {
    %c0_i32 = arith.constant 0 : i32
    %c0_i32_0 = arith.constant 0 : i32
    return %arg0, %c0_i32 : i32, i32
  }
  func.func @transform_3(%arg0: i32) -> (i32, i32) {
    %c0_i32 = arith.constant 0 : i32
    %c0_i32_0 = arith.constant 0 : i32
    %c0_i32_1 = arith.constant 0 : i32
    return %c0_i32, %c0_i32_0 : i32, i32
  }
  func.func @transform_4(%arg0: i32) -> (i32, i32) {
    %c0_i32 = arith.constant 0 : i32
    %c0_i32_0 = arith.constant 0 : i32
    %c0_i32_1 = arith.constant 0 : i32
    return %c0_i32, %c0_i32_0 : i32, i32
  }
  func.func @transform_5(%arg0: i32) -> (i32, i32) {
    %c0_i32 = arith.constant 0 : i32
    %c0_i32_0 = arith.constant 0 : i32
    return %arg0, %c0_i32 : i32, i32
  }
  func.func @transform_6(%arg0: i32) -> (i32, i32) {
    %c0_i32 = arith.constant 0 : i32
    %c0_i32_0 = arith.constant 0 : i32
    %c0_i32_1 = arith.constant 0 : i32
    return %c0_i32, %c0_i32_0 : i32, i32
  }
  func.func @transform_7(%arg0: i32) -> (i32, i32) {
    %c0_i32 = arith.constant 0 : i32
    %c0_i32_0 = arith.constant 0 : i32
    %c0_i32_1 = arith.constant 0 : i32
    return %c0_i32, %c0_i32_0 : i32, i32
  }
  func.func @transform_8(%arg0: i32) -> (i32, i32) {
    %c0_i32 = arith.constant 0 : i32
    %c0_i32_0 = arith.constant 0 : i32
    return %arg0, %c0_i32 : i32, i32
  }
  func.func @transform_9(%arg0: i32) -> (i32, i32) {
    %c0_i32 = arith.constant 0 : i32
    %c0_i32_0 = arith.constant 0 : i32
    return %arg0, %c0_i32 : i32, i32
  }
}

module attributes {stable_mosaic.version = 14 : i64} {
  func.func @_tc3_body(%arg0: i32, %arg1: memref<2000x64xf32, #tpu.memory_space<vmem>>, %arg2: memref<2000x64xf32, #tpu.memory_space<vmem>>, %arg3: memref<2000x16xf32, #tpu.memory_space<vmem>>, %arg4: memref<1x64xf32, #tpu.memory_space<vmem>>, %arg5: memref<2000x64xf32, #tpu.memory_space<vmem>>, %arg6: memref<64x40xf32, #tpu.memory_space<vmem>>, %arg7: memref<1x40xf32, #tpu.memory_space<vmem>>, %arg8: memref<2000x40xf32, #tpu.memory_space<vmem>>) attributes {dimension_semantics = [#tpu.dimension_semantics<arbitrary>], iteration_bounds = array<i64: 5>, scalar_prefetch = 0 : i64, scratch_operands = 0 : i64, tpu.core_type = #tpu.core_type<tc>, window_params = [{transform_indices = @transform_0, window_bounds = array<i64: 2000, 64>}, {transform_indices = @transform_1, window_bounds = array<i64: 2000, 64>}, {transform_indices = @transform_2, window_bounds = array<i64: 2000, 16>}, {pipeline_mode = #tpu.pipeline_mode<synchronous>, transform_indices = @transform_3, window_bounds = array<i64: 1, 64>}, {transform_indices = @transform_4, window_bounds = array<i64: 2000, 64>}, {pipeline_mode = #tpu.pipeline_mode<synchronous>, transform_indices = @transform_5, window_bounds = array<i64: 64, 40>}, {pipeline_mode = #tpu.pipeline_mode<synchronous>, transform_indices = @transform_6, window_bounds = array<i64: 1, 40>}, {transform_indices = @transform_7, window_bounds = array<i64: 2000, 40>}]} {
    %get3A = arith.constant 0 : index
    %get3A_0 = arith.constant 0 : index
    %get3A_1 = vector.load %arg3[%get3A, %get3A_0] : memref<2000x16xf32, #tpu.memory_space<vmem>>, vector<2000x16xf32>
    %slice3A = vector.extract_strided_slice %get3A_1 {offsets = [0, 0], sizes = [2000, 1], strides = [1, 1]} : vector<2000x16xf32> to vector<2000x1xf32>
    %max3A = arith.constant 1.000000e+00 : f32
    %max3A_2 = vector.broadcast %max3A : f32 to vector<2000x1xf32>
    %max3A_3 = arith.maximumf %slice3A, %max3A_2 : vector<2000x1xf32>
    %div3A = arith.constant 1.000000e+00 : f32
    %div3A_4 = vector.broadcast %div3A : f32 to vector<2000x1xf32>
    %div3A_5 = arith.divf %div3A_4, %max3A_3 : vector<2000x1xf32>
    %get3A_6 = arith.constant 0 : index
    %get3A_7 = arith.constant 0 : index
    %get3A_8 = vector.load %arg1[%get3A_6, %get3A_7] : memref<2000x64xf32, #tpu.memory_space<vmem>>, vector<2000x64xf32>
    %get3A_9 = arith.constant 0 : index
    %get3A_10 = arith.constant 0 : index
    %get3A_11 = vector.load %arg2[%get3A_9, %get3A_10] : memref<2000x64xf32, #tpu.memory_space<vmem>>, vector<2000x64xf32>
    %add3A = arith.addf %get3A_8, %get3A_11 : vector<2000x64xf32>
    %mul3A = vector.broadcast %div3A_5 : vector<2000x1xf32> to vector<2000x64xf32>
    %mul3A_12 = arith.mulf %add3A, %mul3A : vector<2000x64xf32>
    %get3A_13 = arith.constant 0 : index
    %get3A_14 = arith.constant 0 : index
    %get3A_15 = vector.load %arg4[%get3A_13, %get3A_14] : memref<1x64xf32, #tpu.memory_space<vmem>>, vector<1x64xf32>
    %add3A_16 = vector.broadcast %get3A_15 : vector<1x64xf32> to vector<2000x64xf32>
    %add3A_17 = arith.addf %mul3A_12, %add3A_16 : vector<2000x64xf32>
    %get3A_18 = arith.constant 0 : index
    %get3A_19 = arith.constant 0 : index
    %get3A_20 = vector.load %arg5[%get3A_18, %get3A_19] : memref<2000x64xf32, #tpu.memory_space<vmem>>, vector<2000x64xf32>
    %add3A_21 = arith.addf %add3A_17, %get3A_20 : vector<2000x64xf32>
    %tanh3A = math.tanh %add3A_21 : vector<2000x64xf32>
    %get3A_22 = arith.constant 0 : index
    %get3A_23 = arith.constant 0 : index
    %get3A_24 = vector.load %arg6[%get3A_22, %get3A_23] : memref<64x40xf32, #tpu.memory_space<vmem>>, vector<64x40xf32>
    %dot_general3A = arith.constant dense<0.000000e+00> : vector<2000x40xf32>
    %dot_general3A_25 = tpu.matmul %tanh3A, %get3A_24, %dot_general3A {dimension_numbers = #tpu.dot_dimension_numbers<[1], [0], [0], [1], [0, 0, 1, 1], [], []>, transpose_lhs_hint = false} : vector<2000x64xf32>, vector<64x40xf32>, vector<2000x40xf32> -> vector<2000x40xf32>
    %get3A_26 = arith.constant 0 : index
    %get3A_27 = arith.constant 0 : index
    %get3A_28 = vector.load %arg7[%get3A_26, %get3A_27] : memref<1x40xf32, #tpu.memory_space<vmem>>, vector<1x40xf32>
    %add3A_29 = vector.broadcast %get3A_28 : vector<1x40xf32> to vector<2000x40xf32>
    %add3A_30 = arith.addf %dot_general3A_25, %add3A_29 : vector<2000x40xf32>
    %swap3A = arith.constant 0 : index
    %swap3A_31 = arith.constant 0 : index
    %swap3A_32 = vector.load %arg8[%swap3A, %swap3A_31] : memref<2000x40xf32, #tpu.memory_space<vmem>>, vector<2000x40xf32>
    tpu.vector_store %arg8[%swap3A, %swap3A_31], %add3A_30 {strides = array<i32>} : memref<2000x40xf32, #tpu.memory_space<vmem>>, vector<2000x40xf32>,
    return
  }
  func.func @transform_0(%arg0: i32) -> (i32, i32) {
    %c0_i32 = arith.constant 0 : i32
    %c0_i32_0 = arith.constant 0 : i32
    return %arg0, %c0_i32 : i32, i32
  }
  func.func @transform_1(%arg0: i32) -> (i32, i32) {
    %c0_i32 = arith.constant 0 : i32
    %c0_i32_0 = arith.constant 0 : i32
    return %arg0, %c0_i32 : i32, i32
  }
  func.func @transform_2(%arg0: i32) -> (i32, i32) {
    %c0_i32 = arith.constant 0 : i32
    %c0_i32_0 = arith.constant 0 : i32
    return %arg0, %c0_i32 : i32, i32
  }
  func.func @transform_3(%arg0: i32) -> (i32, i32) {
    %c0_i32 = arith.constant 0 : i32
    %c0_i32_0 = arith.constant 0 : i32
    %c0_i32_1 = arith.constant 0 : i32
    return %c0_i32, %c0_i32_0 : i32, i32
  }
  func.func @transform_4(%arg0: i32) -> (i32, i32) {
    %c0_i32 = arith.constant 0 : i32
    %c0_i32_0 = arith.constant 0 : i32
    return %arg0, %c0_i32 : i32, i32
  }
  func.func @transform_5(%arg0: i32) -> (i32, i32) {
    %c0_i32 = arith.constant 0 : i32
    %c0_i32_0 = arith.constant 0 : i32
    %c0_i32_1 = arith.constant 0 : i32
    return %c0_i32, %c0_i32_0 : i32, i32
  }
  func.func @transform_6(%arg0: i32) -> (i32, i32) {
    %c0_i32 = arith.constant 0 : i32
    %c0_i32_0 = arith.constant 0 : i32
    %c0_i32_1 = arith.constant 0 : i32
    return %c0_i32, %c0_i32_0 : i32, i32
  }
  func.func @transform_7(%arg0: i32) -> (i32, i32) {
    %c0_i32 = arith.constant 0 : i32
    %c0_i32_0 = arith.constant 0 : i32
    return %arg0, %c0_i32 : i32, i32
  }
}

</mosaic_0001>

<sc_bundles>
// kernel: kernel.12.cloned.1.call-start
scs
__scs_entry_jumppad:
0x0: {  	(pc) =	sbr.rel $0x88, $3  }
0x1: {  	(tag) =	ssettag $0x0;
	lr =	simm.s32 $0x1  }
0x2: {  	[smem:$0x3F94] =	sst lr;
	_ =	strace $0xD0000000  }
0x3: {  	_ = 	snop  }
0x4: {  	_ = 	snop  }
0x5: {  	_ = 	snop  }
0x6: {  	_ = 	snop  }
0x7: {  	_ = 	snop  }
__scs_overlays_trampoline_lowered:
0x8: {  	[smem:$0x3FA3] =	sst s0  }
0x9: {  	[smem:$0x3FA4] =	sst s1  }
0xa: {  	[smem:$0x3FA5] =	sst s2  }
0xb: {  	[smem:$0x3FA6] =	sst s3  }
0xc: {  	[smem:$0x3FA7] =	sst s4  }
0xd: {  	[smem:$0x3FA8] =	sst s5  }
0xe: {  	[smem:$0x3FA9] =	sst s6  }
0xf: {  	[smem:$0x3FAA] =	sst s7  }
0x10: {  	[smem:$0x3FAB] =	sst s8  }
0x11: {  	[smem:$0x3FAC] =	sst s9;
	s0 =	simm.s32 @!p0 $0x0  }
0x12: {  	s1 =	sld [smem:$0x3F92];
	s0 =	simm.s32 @p0 $0x1  }
0x13: {  	[smem:$0x3FAD] =	sst s0;
	s0 =	simm.s32 @!p1 $0x0  }
0x14: {  	s2 =	sld [smem:$0x3F91];
	s0 =	simm.s32 @p1 $0x1  }
0x15: {  	[smem:$0x3FAE] =	sst s0;
	s0 =	simm.s32 @!p2 $0x0  }
0x16: {  	s3 =	sld [smem:$0x3FDB];
	s0 =	simm.s32 @p2 $0x1  }
0x17: {  	s4 =	simm.s32 $0x1BF5;
	[smem:$0x3FB0] =	sst s0  }
0x18: {  	s0 =	sld [smem:$0x3F93];
	_ =	swait.ge [sflag:s4], $0x0  }
0x19: {  	s7 =	sld [smem:$0x3F94]  }
0x1a: {  	s8 =	sadd.s32 $0xFFFFE003, lr  }
0x1b: {  	s9 =	sadd.s32 $0xFFFFFEF7, lr;
	s5 =	simm.s32 $0xFFFFFFFF;
	p2 =	slt.u32 s8, $0xFFFFF086  }
0x1c: {  	p1 =	slt.u32 s9, $0xF7A;
	s5 =	simm.s32 @!p2 $0x0  }
0x1d: {  	s5 =	simm.s32 @p1 $0x1;
	p0 =	seq.s32 s7, s2  }
0x1e: {  	s7 =	smul.u32 @!p0 $0xF7A, s2;
	p2 =	seq.s32 @!p0 s5, $0x0  }
0x1f: {  	s9 =	smul.u32 $0xF7A, s1;
	s8 =	simm.s32 @!p0 $0x1BF5;
	p2 =	por !p2, p0  }
0x20: {  	[sflag:s8] =	ssyncset.s32 @!p0 $0xFFFFF086;
	s6 =	sadd.s32 @!p0 s3, s7;
	s7 =	simm.s32 @!p0 $0x108  }
0x21: {  	s3 =	sadd.s32 s3, s9;
	s6 =	sadd.s32 @!p0 $0x88, s6;
	s7 =	simm.s32 @p2 $0x1082  }
0x22: {  	[simem:s7], [sflag:s8] =	dma.local @!p0 [hbm:s6], $0xF7A  }
0x23: {  	s9 =	sor.u32 $0xD0000000, s2;
	s6 =	simm.s32 $0x108;
	_ =	swait.ge @!p0 [sflag:s8], $0x0  }
0x24: {  	s3 =	sadd.s32 $0x88, s3;
	s6 =	simm.s32 @!p1 $0x1082;
	[sflag:s4] =	ssyncset.s32 $0xFFFFF086  }
0x25: {  	[simem:s6], [sflag:s4] =	dma.local [hbm:s3], $0xF7A  }
0x26: {  	[smem:$0x3F94] =	sst s1;
	(tag) =	ssettag s2;
	_ =	strace s9  }
0x27: {  	s1 =	sld [smem:$0x3FA4]  }
0x28: {  	s2 =	sld [smem:$0x3FA5]  }
0x29: {  	s4 =	sld [smem:$0x3FA7]  }
0x2a: {  	p0 =	seq.s32 s5, $0x0;
	s5 =	sld [smem:$0x3FA8]  }
0x2b: {  	s6 =	sld [smem:$0x3FA9]  }
0x2c: {  	s7 =	sld [smem:$0x3FAA]  }
0x2d: {  	s3 =	simm.s32 $0x108;
	s8 =	sld [smem:$0x3FAB]  }
0x2e: {  	s3 =	simm.s32 @!p0 $0x1082;
	s9 =	sld [smem:$0x3FAC]  }
0x2f: {  	lr =	sadd.s32 s0, s3;
	s0 =	sld [smem:$0x3FA3]  }
0x30: {  	s3 =	sld [smem:$0x3FA6]  }
0x31: {  	[smem:$0x3FAF] =	sst s10  }
0x32: {  	s10 =	sld [smem:$0x3FAD];
	_ =	sdelay $0x3  }
0x33: {  	p0 =	seq.s32 s10, $0x1;
	s10 =	sld [smem:$0x3FAF];
	_ =	sdelay $0x3  }
0x34: {  	[smem:$0x3FAF] =	sst s10  }
0x35: {  	s10 =	sld [smem:$0x3FAE];
	_ =	sdelay $0x3  }
0x36: {  	p1 =	seq.s32 s10, $0x1;
	s10 =	sld [smem:$0x3FAF];
	_ =	sdelay $0x3  }
0x37: {  	[smem:$0x3FAF] =	sst s10  }
0x38: {  	s10 =	sld [smem:$0x3FB0]  }
0x39: {  	_ = 	snop;
	(pc) =	sbr.ind lr, $3  }
0x3a: {  	_ = 	snop  }
0x3b: {  	_ = 	snop  }
0x3c: {  	p2 =	seq.s32 s10, $0x1;
	s10 =	sld [smem:$0x3FAF]  }
0x3d: {  	_ =	shalt  }
0x3e: {  	_ =	shalt  }
0x3f: {  	_ =	shalt  }
0x40: {  	_ =	shalt  }
0x41: {  	_ =	shalt  }
0x42: {  	_ =	shalt  }
0x43: {  	_ =	shalt  }
0x44: {  	_ =	shalt  }
0x45: {  	_ =	shalt  }
0x46: {  	_ =	shalt  }
0x47: {  	_ =	shalt  }
0x48: {  	_ =	shalt  }
0x49: {  	_ =	shalt  }
0x4a: {  	_ =	shalt  }
0x4b: {  	_ =	shalt  }
0x4c: {  	_ =	shalt  }
0x4d: {  	_ =	shalt  }
0x4e: {  	_ =	shalt  }
0x4f: {  	_ =	shalt  }
0x50: {  	_ =	shalt  }
0x51: {  	_ =	shalt  }
0x52: {  	_ =	shalt  }
0x53: {  	_ =	shalt  }
0x54: {  	_ =	shalt  }
0x55: {  	_ =	shalt  }
0x56: {  	_ =	shalt  }
0x57: {  	_ =	shalt  }
0x58: {  	_ =	shalt  }
0x59: {  	_ =	shalt  }
0x5a: {  	_ =	shalt  }
0x5b: {  	_ =	shalt  }
0x5c: {  	_ =	shalt  }
0x5d: {  	_ =	shalt  }
0x5e: {  	_ =	shalt  }
0x5f: {  	_ =	shalt  }
0x60: {  	_ =	shalt  }
0x61: {  	_ =	shalt  }
0x62: {  	_ =	shalt  }
0x63: {  	_ =	shalt  }
0x64: {  	_ =	shalt  }
0x65: {  	_ =	shalt  }
0x66: {  	_ =	shalt  }
0x67: {  	_ =	shalt  }
0x68: {  	_ =	shalt  }
0x69: {  	_ =	shalt  }
0x6a: {  	_ =	shalt  }
0x6b: {  	_ =	shalt  }
0x6c: {  	_ =	shalt  }
0x6d: {  	_ =	shalt  }
0x6e: {  	_ =	shalt  }
0x6f: {  	_ =	shalt  }
0x70: {  	_ =	shalt  }
0x71: {  	_ =	shalt  }
0x72: {  	_ =	shalt  }
0x73: {  	_ =	shalt  }
0x74: {  	_ =	shalt  }
0x75: {  	_ =	shalt  }
0x76: {  	_ =	shalt  }
0x77: {  	_ =	shalt  }
0x78: {  	_ =	shalt  }
0x79: {  	_ =	shalt  }
0x7a: {  	_ =	shalt  }
0x7b: {  	_ =	shalt  }
0x7c: {  	_ =	shalt  }
0x7d: {  	_ =	shalt  }
0x7e: {  	_ =	shalt  }
0x7f: {  	_ =	shalt  }
0x80: {  	_ =	shalt  }
0x81: {  	_ =	shalt  }
0x82: {  	_ =	shalt  }
0x83: {  	_ =	shalt  }
0x84: {  	_ =	shalt  }
0x85: {  	_ =	shalt  }
0x86: {  	_ =	shalt  }
0x87: {  	_ =	shalt  }
.Lfunc_end0:
.L_simem_size_0:
called_computation.1_lowered:
.L_overlay_start_0:
0x88: {  	s2 =	sld [smem:$0x3FD9]  }
0x89: {  	s3 =	sld [smem:$0x3FFE];
	_ =	sdelay $0x1  }
0x8a: {  	s1 =	srdreg.scid  }
0x8b: {  	s0 =	sand.u32 $0x1, s1  }
0x8c: {  	s17 =	sshll.u32 s0, $0xA;
	s2 =	sadd.s32 s3, s2  }
0x8d: {  	s2 =	sadd.s32 s2, s17  }
0x8e: {  	[smem:$0x3FBB] =	sst s2  }
0x8f: {  	_ = 	snop  }
0x90: {  	s2 =	sld [smem:$0x3FD0];
	(tm) =	ssettm $0x1  }
0x91: {  	s18 =	sld [smem:$0x3FFB];
	_ =	sdelay $0x3  }
0x92: {  	_ =	strace s18  }
0x93: {  	s3 =	sld [smem:$0x3FFC];
	_ =	sdelay $0x3  }
0x94: {  	_ =	strace s3  }
0x95: {  	s3 =	sld [smem:$0x3FFD];
	_ =	sdelay $0x3  }
0x96: {  	_ =	strace s3  }
0x97: {  	_ =	strace $0x8FFFFFFF  }
0x98: {  	s19 =	sld [smem:$0x3FDB];
	_ =	sdelay $0x1  }
0x99: {  	s4 =	simm.s32 $_scs_section_size  }
0x9a: {  	s5 =	simm.s32 $_size__tile_overlayer_lowered;
	s6 =	simm.s32 $_tile_overlayer_lowered  }
0x9b: {  	s22 =	simm.s32 $0x1BFF;
	s21 =	sshll.u32 s6, $0x1;
	s3 =	sadd.s32 s4, s19  }
0x9c: {  	s7 =	simm.s32 $0x0;
	s20 =	sshll.u32 s5, $0x1;
	s5 =	sadd.s32 s21, s3  }
0x9d: {  	[timem:s7], [sflag:s22] =	dma.local [hbm:s5], s20  }
0x9e: {  	_ =	swait.ge [sflag:s22], s20  }
0x9f: {  	s4 =	ssub.s32 $0x0, s20;
	[sflag:s22] =	ssyncset.done $0x0  }
0xa0: {  	[sflag:s22] =	ssyncadd.s32 s4;
	_ =	sdelay $0x1  }
0xa1: {  	s23 =	simm.s32 $0x1B8B  }
0xa2: {  	_ =	swait.ge [sflag:s23], $0x1  }
0xa3: {  	[sflag:s23] =	ssyncset.done $0x0  }
0xa4: {  	s25 =	simm.s32 $0x1B8E;
	s24 =	sld [smem:$0x3FFE];
	[sflag:s23] =	ssyncadd.s32 $0xFFFFFFFF  }
0xa5: {  	s26 =	simm.s32 $execute0_lowered;
	[smem:$0x3FD2] =	sst s25  }
0xa6: {  	s5 =	sshll.u32 s26, $0x1;
	_ =	strace $0x80000049;
	[dreg:$0x1] =	wrdreg $0xFFFFFFFF  }
0xa7: {  	s28 =	simm.s32 $_size_execute0_lowered;
	s3 =	sadd.s32 s3, s5;
	[dreg:$0x0] =	wrdreg $0x0  }
0xa8: {  	s5 =	sshll.u32 s28, $0x1;
	[dreg:$0x2] =	wrdreg s3  }
0xa9: {  	[dreg:$0x3] =	wrdreg s5  }
0xaa: {  	[dreg:$0x4] =	wrdreg $0xC0  }
0xab: {  	_ =	task [dreg:s7], $0x5FFFF  }
0xac: {  	[dreg:$0x1] =	wrdreg $0xFFFFFFFF  }
0xad: {  	[dreg:$0x0] =	wrdreg $0x60  }
0xae: {  	[dreg:$0x2] =	wrdreg s24  }
0xaf: {  	[dreg:$0x3] =	wrdreg s2  }
0xb0: {  	[dreg:$0x4] =	wrdreg $0x21000  }
0xb1: {  	[dreg:$0x5] =	wrdreg $0x9  }
0xb2: {  	_ =	task.clear_ibuf [dreg:s7], $0x6FFFF;
	_ =	strace $0x90000049  }
0xb3: {  	s29 =	simm.s32 $0x9;
	_ =	strace $0x8000004B  }
0xb4: {  	_ =	swait.ge [sflag:s29], $0x1  }
0xb5: {  	[sflag:s29] =	ssyncadd.s32 $0xFFFFFFFF  }
0xb6: {  	_ =	strace $0x9000004B  }
0xb7: {  	_ =	sfence  }
0xb8: {  	s30 =	sld [smem:$0x0];
	_ =	sdelay $0x2  }
0xb9: {  	s31 =	sshll.u32 s1, $0xD;
	s1 =	sshrl.u32 s1, $0x2  }
0xba: {  	s3 =	sand.u32 $0x4000, s31;
	s1 =	sadd.s32 s1, s30  }
0xbb: {  	s0 =	sor.u32 s3, s0;
	s1 =	sshll.u32 s1, $0x11  }
0xbc: {  	s0 =	sor.u32 s1, s0  }
0xbd: {  	s0 =	sadd.s32 $0x8F2B, s0  }
0xbe: {  	[sflag:s0] =	ssyncadd.remote.s32 $0x1  }
0xbf: {  	_ =	sfence.sel $0xFFFF  }
0xc0: {  	[dreg:$0x0] =	wrdreg $0xFFFFFFFF;
	(pc) =	sbr.abs _section_cstart, $3  }
0xc1: {  	[dreg:$0x1] =	wrdreg $0xFFFFFFFF  }
0xc2: {  	_ =	task.clear_ibuf [dreg:s7], $0x2FFFF;
	_ =	strace $0x9FFFFFFF  }
0xc3: {  	(tm) =	ssettm $0x7FFFFFFF  }
tec
execute0_lowered:
.L_overlay_start_1:
0x0: {  	(tag) =	ssettag $0x1  }
0x1: {  	s6 =	rddreg [dreg:$0x0]  }
0x2: {  	s1 =	srdreg.scid;
	s10 =	rddreg [dreg:$0x1]  }
0x3: {  	s0 =	stileid.u32;
	s2 =	rddreg [dreg:$0x2]  }
0x4: {  	s3 =	simm.s32 $0x0;
	s14 =	simm.s32 $0x100;
	s4 =	smul.u32 $0x5000, s0  }
0x5: {  	s15 =	simm.s32 $0x1;
	s5 =	sand.u32 $0x1, s1;
	s8 =	smul.u32 $0xA000, s0  }
0x6: {  	s16 =	simm.s32 $0x0;
	s1 =	rddreg [dreg:$0x3];
	s7 =	smul.u32 $0x2800, s5  }
0x7: {  	[smem:$0x7FF] =	sst s3;
	s30 =	sshll.u32 s0, $0x6;
	s9 =	smul.u32 $0xA0000, s5  }
0x8: {  	_ =	strace $0x8000004A;
	s29 =	ssub.s32 $0x2, s5;
	s5 =	sadd.s32 $0x48800, s6  }
0x9: {  	s13 =	sshrl.u32 s29, $0x1;
	s31 =	sadd.s32 s8, s2;
	s7 =	sadd.s32 s7, s4  }
0xa: {  	s4 =	sadd.s32 $0x3C00, s6;
	s28 =	sadd.s32 s8, s9;
	s9 =	ssub.s32 s29, s13  }
0xb: {  	s13 =	simm.s32 $0x80;
	s11 =	sshrl.u32 s7, $0x3;
	s7 =	sshrl.u32 s28, $0x3  }
0xc: {  	s8 =	smax.u32 s9, $0x1;
	s12 =	sadd.s32 s11, s6;
	s7 =	sadd.s32 s7, s6  }
0xd: {  	s6 =	sor.u32 $0x1C02, s30;
	s10 =	sadd.s32 s11, s10;
	s11 =	sshrl.u32 s31, $0x3  }
0xe: {  	s7 =	sadd.s32 $0xA3600, s7;
	s9 =	sadd.s32 $0x3E800, s12;
	s12 =	simm.s32 $0x2  }
.LBB2_1:
0xf: {  	[spmem:s11], [sflag:s6] =	dma.local [hbm:s5], $0x1400  }
0x10: {  	_ =	swait.ge [sflag:s12], $0x1400  }
0x11: {  	[sflag:s12] =	ssyncset.done $0x0  }
0x12: {  	[sflag:s12] =	ssyncadd.s32 $0xFFFFEC00  }
0x13: {  	s17 =	sadd.s32 $0x0, s10;
	[bflag:$0x0] =	sbarrier.arrive $0xFFFF  }
0x14: {  	[tilespmem:s3], [sflag:$0x2] =	stream.linear.gather [hbm4b:s17+s3], $0x80, $0x38;
	[tilespmem:$0xC100] =	vst v63  }
0x15: {  	_ =	swait.ge [sflag:s12], $0x80  }
0x16: {  	[sflag:s12] =	ssyncset.done $0x0  }
0x17: {  	s31 =	sadd.s32 $0x0, s9;
	[sflag:s12] =	ssyncadd.s32 $0xFFFFFF80  }
0x18: {  	[tilespmem:s13], [sflag:$0x2] =	stream.linear.gather [hbm4b:s31+s3], $0x80, $0x38;
	[tilespmem:$0xC100] =	vst v63  }
0x19: {  	_ =	swait.ge [sflag:s12], $0x80  }
0x1a: {  	[sflag:s12] =	ssyncset.done $0x0  }
0x1b: {  	[sflag:s12] =	ssyncadd.s32 $0xFFFFFF80  }
0x1c: {  	[tilespmem:s14], [sflag:$0x1] =	stream.indirect.gather [hbm4b:s4+s13], $0x40, s3, s13, $0xb8;
	[tilespmem:$0xC100] =	vst v63  }
0x1d: {  	_ =	swait.ge [sflag:s15], $0x2000  }
0x1e: {  	[sflag:s15] =	ssyncset.done $0x0  }
0x1f: {  	[sflag:s15] =	ssyncadd.s32 $0xFFFFE000  }
0x20: {  	[spmem:s2] =	stream.indirect.scatter.add.f32 [tilespmem:s14], [sflag:$0x2], $0x40, s13, s13, $0xb8;
	[tilespmem:$0xC100] =	vst v63  }
0x21: {  	_ =	swait.ge [sflag:s12], $0x2000  }
0x22: {  	s18 =	simm.s32 $0x20;
	s17 =	simm.s32 $0x10;
	[sflag:s12] =	ssyncset.done $0x0  }
.LBB2_2:
0x23: {  	s19 =	sadd.s32 s17, s10  }
0x24: {  	[sflag:s12] =	ssyncadd.s32 $0xFFFFE000;
	s20 =	smov.u32 s18;
	s21 =	sadd.s32 $0x10, s18  }
0x25: {  	[tilespmem:s3], [sflag:$0x2] =	stream.linear.gather [hbm4b:s19+s3], $0x80, $0x38;
	[tilespmem:$0xC100] =	vst v63  }
0x26: {  	p0 =	sne.s32 s18, $0x4F0;
	_ =	swait.ge [sflag:s12], $0x80  }
0x27: {  	[sflag:s12] =	ssyncset.done $0x0  }
0x28: {  	s18 =	sadd.s32 s17, s9;
	s17 =	smov.u32 s20;
	[sflag:s12] =	ssyncadd.s32 $0xFFFFFF80  }
0x29: {  	[tilespmem:s13], [sflag:$0x2] =	stream.linear.gather [hbm4b:s18+s3], $0x80, $0x38;
	[tilespmem:$0xC100] =	vst v63  }
0x2a: {  	_ =	swait.ge [sflag:s12], $0x80  }
0x2b: {  	[sflag:s12] =	ssyncset.done $0x0  }
0x2c: {  	[sflag:s12] =	ssyncadd.s32 $0xFFFFFF80  }
0x2d: {  	[tilespmem:s14], [sflag:$0x1] =	stream.indirect.gather [hbm4b:s4+s13], $0x40, s3, s13, $0xb8;
	[tilespmem:$0xC100] =	vst v63  }
0x2e: {  	_ =	swait.ge [sflag:s15], $0x2000  }
.Ltmp0:
0x2f: {  	[sflag:s15] =	ssyncset.done $0x0;
	(pc) =	sbr.rel @p0 .LBB2_2-.Ltmp0, $4  }
0x30: {  	[sflag:s15] =	ssyncadd.s32 $0xFFFFE000  }
0x31: {  	[spmem:s2] =	stream.indirect.scatter.add.f32 [tilespmem:s14], [sflag:$0x2], $0x40, s13, s13, $0xb8;
	[tilespmem:$0xC100] =	vst v63  }
0x32: {  	_ =	swait.ge [sflag:s12], $0x2000  }
0x33: {  	s18 =	smov.u32 s21;
	[sflag:s12] =	ssyncset.done $0x0  }
0x34: {  	s18 =	sadd.s32 s17, s10;
	[sflag:s12] =	ssyncadd.s32 $0xFFFFE000  }
0x35: {  	[tilespmem:s3], [sflag:$0x2] =	stream.linear.gather [hbm4b:s18+s3], $0x80, $0x38;
	[tilespmem:$0xC100] =	vst v63  }
0x36: {  	_ =	swait.ge [sflag:s12], $0x80  }
0x37: {  	[sflag:s12] =	ssyncset.done $0x0  }
0x38: {  	s31 =	sadd.s32 s17, s9;
	[sflag:s12] =	ssyncadd.s32 $0xFFFFFF80  }
0x39: {  	[tilespmem:s13], [sflag:$0x2] =	stream.linear.gather [hbm4b:s31+s3], $0x80, $0x38;
	[tilespmem:$0xC100] =	vst v63  }
0x3a: {  	_ =	swait.ge [sflag:s12], $0x80  }
0x3b: {  	[sflag:s12] =	ssyncset.done $0x0  }
0x3c: {  	[sflag:s12] =	ssyncadd.s32 $0xFFFFFF80  }
0x3d: {  	[tilespmem:s14], [sflag:$0x1] =	stream.indirect.gather [hbm4b:s4+s13], $0x40, s3, s13, $0xb8;
	[tilespmem:$0xC100] =	vst v63  }
0x3e: {  	_ =	swait.ge [sflag:s15], $0x2000  }
0x3f: {  	[sflag:s15] =	ssyncset.done $0x0  }
0x40: {  	[sflag:s15] =	ssyncadd.s32 $0xFFFFE000  }
0x41: {  	[spmem:s2] =	stream.indirect.scatter.add.f32 [tilespmem:s14], [sflag:$0x2], $0x40, s13, s13, $0xb8;
	[tilespmem:$0xC100] =	vst v63  }
0x42: {  	_ =	swait.ge [sflag:s12], $0x2000  }
0x43: {  	s16 =	sadd.s32 $0x1, s16;
	[sflag:s12] =	ssyncset.done $0x0  }
0x44: {  	p0 =	sne.s32 s16, s8;
	[sflag:s12] =	ssyncadd.s32 $0xFFFFE000  }
.Ltmp1:
0x45: {  	[bflag:$0x0] =	sbarrier.arrive $0xFFFF;
	(pc) =	sbr.rel @p0 .LBB2_1-.Ltmp1, $4  }
0x46: {  	[hbm:s7], [sflag:s6] =	dma.local [spmem:s11], $0x1400  }
0x47: {  	_ =	swait.ge [sflag:s12], $0x1400  }
0x48: {  	[sflag:s12] =	ssyncset.done $0x0  }
0x49: {  	[sflag:s12] =	ssyncadd.s32 $0xFFFFEC00  }
0x4a: {  	_ =	sfence.sel $0x180000  }
0x4b: {  	[bflag:$0x0] =	sbarrier.arrive $0xFFFF  }
0x4c: {  	p0 =	sne.s32 s0, $0x0;
	_ =	strace $0x9000004A  }
0x4d: {  	s0 =	sadd.s32 @!p0 $0x100000, s1;
	[bflag:$0x2] =	sbarrier.arrive $0xFFFF  }
0x4e: {  	[sflag:s0] =	ssyncadd.tile.s32 @!p0 $0x1;
	_ =	shalt  }
.Lfunc_end2:
_tile_overlayer_lowered:
.L_overlay_start_2:
0x4f: {  	(tag) =	ssettag $0x2  }
0x50: {  	s0 =	rddreg [dreg:$0x0];
	s2 =	stileid.u32  }
0x51: {  	s1 =	rddreg [dreg:$0x1];
	p0 =	sne.s32 s2, $0x0  }
0x52: {  	s3 =	rddreg [dreg:$0x2];
	[bflag:$0x3] =	sbarrier.arrive $0xFFFF;
	s2 =	simm.s32 @!p0 $0x1C02  }
0x53: {  	[timem:s3], [sflag:s2] =	dma.local @!p0 [hbm:s0], s1  }
0x54: {  	s0 =	simm.s32 @!p0 $0x2  }
0x55: {  	_ =	swait.ge @!p0 [sflag:s0], s1  }
0x56: {  	s1 =	ssub.s32 @!p0 $0x0, s1;
	[sflag:s0] =	ssyncset.done @!p0 $0x0  }
0x57: {  	[sflag:s0] =	ssyncadd.s32 @!p0 s1  }
0x58: {  	[bflag:$0x3] =	sbarrier.arrive $0xFFFF  }
0x59: {  	_ =	shalt  }

// kernel: kernel.15.cloned.1.call-start
scs
__scs_entry_jumppad:
0x0: {  	(pc) =	sbr.rel $0x88, $3  }
0x1: {  	(tag) =	ssettag $0x0;
	lr =	simm.s32 $0x1  }
0x2: {  	[smem:$0x3F94] =	sst lr;
	_ =	strace $0xD0000000  }
0x3: {  	_ = 	snop  }
0x4: {  	_ = 	snop  }
0x5: {  	_ = 	snop  }
0x6: {  	_ = 	snop  }
0x7: {  	_ = 	snop  }
__scs_overlays_trampoline_lowered:
0x8: {  	[smem:$0x3FA3] =	sst s0  }
0x9: {  	[smem:$0x3FA4] =	sst s1  }
0xa: {  	[smem:$0x3FA5] =	sst s2  }
0xb: {  	[smem:$0x3FA6] =	sst s3  }
0xc: {  	[smem:$0x3FA7] =	sst s4  }
0xd: {  	[smem:$0x3FA8] =	sst s5  }
0xe: {  	[smem:$0x3FA9] =	sst s6  }
0xf: {  	[smem:$0x3FAA] =	sst s7  }
0x10: {  	[smem:$0x3FAB] =	sst s8  }
0x11: {  	[smem:$0x3FAC] =	sst s9;
	s0 =	simm.s32 @!p0 $0x0  }
0x12: {  	s1 =	sld [smem:$0x3F92];
	s0 =	simm.s32 @p0 $0x1  }
0x13: {  	[smem:$0x3FAD] =	sst s0;
	s0 =	simm.s32 @!p1 $0x0  }
0x14: {  	s2 =	sld [smem:$0x3F91];
	s0 =	simm.s32 @p1 $0x1  }
0x15: {  	[smem:$0x3FAE] =	sst s0;
	s0 =	simm.s32 @!p2 $0x0  }
0x16: {  	s3 =	sld [smem:$0x3FDB];
	s0 =	simm.s32 @p2 $0x1  }
0x17: {  	s4 =	simm.s32 $0x1BF5;
	[smem:$0x3FB0] =	sst s0  }
0x18: {  	s0 =	sld [smem:$0x3F93];
	_ =	swait.ge [sflag:s4], $0x0  }
0x19: {  	s7 =	sld [smem:$0x3F94]  }
0x1a: {  	s8 =	sadd.s32 $0xFFFFE003, lr  }
0x1b: {  	s9 =	sadd.s32 $0xFFFFFEF7, lr;
	s5 =	simm.s32 $0xFFFFFFFF;
	p2 =	slt.u32 s8, $0xFFFFF086  }
0x1c: {  	p1 =	slt.u32 s9, $0xF7A;
	s5 =	simm.s32 @!p2 $0x0  }
0x1d: {  	s5 =	simm.s32 @p1 $0x1;
	p0 =	seq.s32 s7, s2  }
0x1e: {  	s7 =	smul.u32 @!p0 $0xF7A, s2;
	p2 =	seq.s32 @!p0 s5, $0x0  }
0x1f: {  	s9 =	smul.u32 $0xF7A, s1;
	s8 =	simm.s32 @!p0 $0x1BF5;
	p2 =	por !p2, p0  }
0x20: {  	[sflag:s8] =	ssyncset.s32 @!p0 $0xFFFFF086;
	s6 =	sadd.s32 @!p0 s3, s7;
	s7 =	simm.s32 @!p0 $0x108  }
0x21: {  	s3 =	sadd.s32 s3, s9;
	s6 =	sadd.s32 @!p0 $0x88, s6;
	s7 =	simm.s32 @p2 $0x1082  }
0x22: {  	[simem:s7], [sflag:s8] =	dma.local @!p0 [hbm:s6], $0xF7A  }
0x23: {  	s9 =	sor.u32 $0xD0000000, s2;
	s6 =	simm.s32 $0x108;
	_ =	swait.ge @!p0 [sflag:s8], $0x0  }
0x24: {  	s3 =	sadd.s32 $0x88, s3;
	s6 =	simm.s32 @!p1 $0x1082;
	[sflag:s4] =	ssyncset.s32 $0xFFFFF086  }
0x25: {  	[simem:s6], [sflag:s4] =	dma.local [hbm:s3], $0xF7A  }
0x26: {  	[smem:$0x3F94] =	sst s1;
	(tag) =	ssettag s2;
	_ =	strace s9  }
0x27: {  	s1 =	sld [smem:$0x3FA4]  }
0x28: {  	s2 =	sld [smem:$0x3FA5]  }
0x29: {  	s4 =	sld [smem:$0x3FA7]  }
0x2a: {  	p0 =	seq.s32 s5, $0x0;
	s5 =	sld [smem:$0x3FA8]  }
0x2b: {  	s6 =	sld [smem:$0x3FA9]  }
0x2c: {  	s7 =	sld [smem:$0x3FAA]  }
0x2d: {  	s3 =	simm.s32 $0x108;
	s8 =	sld [smem:$0x3FAB]  }
0x2e: {  	s3 =	simm.s32 @!p0 $0x1082;
	s9 =	sld [smem:$0x3FAC]  }
0x2f: {  	lr =	sadd.s32 s0, s3;
	s0 =	sld [smem:$0x3FA3]  }
0x30: {  	s3 =	sld [smem:$0x3FA6]  }
0x31: {  	[smem:$0x3FAF] =	sst s10  }
0x32: {  	s10 =	sld [smem:$0x3FAD];
	_ =	sdelay $0x3  }
0x33: {  	p0 =	seq.s32 s10, $0x1;
	s10 =	sld [smem:$0x3FAF];
	_ =	sdelay $0x3  }
0x34: {  	[smem:$0x3FAF] =	sst s10  }
0x35: {  	s10 =	sld [smem:$0x3FAE];
	_ =	sdelay $0x3  }
0x36: {  	p1 =	seq.s32 s10, $0x1;
	s10 =	sld [smem:$0x3FAF];
	_ =	sdelay $0x3  }
0x37: {  	[smem:$0x3FAF] =	sst s10  }
0x38: {  	s10 =	sld [smem:$0x3FB0]  }
0x39: {  	_ = 	snop;
	(pc) =	sbr.ind lr, $3  }
0x3a: {  	_ = 	snop  }
0x3b: {  	_ = 	snop  }
0x3c: {  	p2 =	seq.s32 s10, $0x1;
	s10 =	sld [smem:$0x3FAF]  }
0x3d: {  	_ =	shalt  }
0x3e: {  	_ =	shalt  }
0x3f: {  	_ =	shalt  }
0x40: {  	_ =	shalt  }
0x41: {  	_ =	shalt  }
0x42: {  	_ =	shalt  }
0x43: {  	_ =	shalt  }
0x44: {  	_ =	shalt  }
0x45: {  	_ =	shalt  }
0x46: {  	_ =	shalt  }
0x47: {  	_ =	shalt  }
0x48: {  	_ =	shalt  }
0x49: {  	_ =	shalt  }
0x4a: {  	_ =	shalt  }
0x4b: {  	_ =	shalt  }
0x4c: {  	_ =	shalt  }
0x4d: {  	_ =	shalt  }
0x4e: {  	_ =	shalt  }
0x4f: {  	_ =	shalt  }
0x50: {  	_ =	shalt  }
0x51: {  	_ =	shalt  }
0x52: {  	_ =	shalt  }
0x53: {  	_ =	shalt  }
0x54: {  	_ =	shalt  }
0x55: {  	_ =	shalt  }
0x56: {  	_ =	shalt  }
0x57: {  	_ =	shalt  }
0x58: {  	_ =	shalt  }
0x59: {  	_ =	shalt  }
0x5a: {  	_ =	shalt  }
0x5b: {  	_ =	shalt  }
0x5c: {  	_ =	shalt  }
0x5d: {  	_ =	shalt  }
0x5e: {  	_ =	shalt  }
0x5f: {  	_ =	shalt  }
0x60: {  	_ =	shalt  }
0x61: {  	_ =	shalt  }
0x62: {  	_ =	shalt  }
0x63: {  	_ =	shalt  }
0x64: {  	_ =	shalt  }
0x65: {  	_ =	shalt  }
0x66: {  	_ =	shalt  }
0x67: {  	_ =	shalt  }
0x68: {  	_ =	shalt  }
0x69: {  	_ =	shalt  }
0x6a: {  	_ =	shalt  }
0x6b: {  	_ =	shalt  }
0x6c: {  	_ =	shalt  }
0x6d: {  	_ =	shalt  }
0x6e: {  	_ =	shalt  }
0x6f: {  	_ =	shalt  }
0x70: {  	_ =	shalt  }
0x71: {  	_ =	shalt  }
0x72: {  	_ =	shalt  }
0x73: {  	_ =	shalt  }
0x74: {  	_ =	shalt  }
0x75: {  	_ =	shalt  }
0x76: {  	_ =	shalt  }
0x77: {  	_ =	shalt  }
0x78: {  	_ =	shalt  }
0x79: {  	_ =	shalt  }
0x7a: {  	_ =	shalt  }
0x7b: {  	_ =	shalt  }
0x7c: {  	_ =	shalt  }
0x7d: {  	_ =	shalt  }
0x7e: {  	_ =	shalt  }
0x7f: {  	_ =	shalt  }
0x80: {  	_ =	shalt  }
0x81: {  	_ =	shalt  }
0x82: {  	_ =	shalt  }
0x83: {  	_ =	shalt  }
0x84: {  	_ =	shalt  }
0x85: {  	_ =	shalt  }
0x86: {  	_ =	shalt  }
0x87: {  	_ =	shalt  }
.Lfunc_end0:
.L_simem_size_0:
called_computation.2_lowered:
.L_overlay_start_0:
0x88: {  	s2 =	sld [smem:$0x3FD9]  }
0x89: {  	s3 =	sld [smem:$0x3FFE];
	_ =	sdelay $0x1  }
0x8a: {  	s1 =	srdreg.scid  }
0x8b: {  	s0 =	sand.u32 $0x1, s1  }
0x8c: {  	s17 =	sshll.u32 s0, $0xA;
	s2 =	sadd.s32 s3, s2  }
0x8d: {  	s2 =	sadd.s32 s2, s17  }
0x8e: {  	[smem:$0x3FBB] =	sst s2  }
0x8f: {  	_ = 	snop  }
0x90: {  	s2 =	sld [smem:$0x3FD0];
	(tm) =	ssettm $0x1  }
0x91: {  	s18 =	sld [smem:$0x3FFB];
	_ =	sdelay $0x3  }
0x92: {  	_ =	strace s18  }
0x93: {  	s3 =	sld [smem:$0x3FFC];
	_ =	sdelay $0x3  }
0x94: {  	_ =	strace s3  }
0x95: {  	s3 =	sld [smem:$0x3FFD];
	_ =	sdelay $0x3  }
0x96: {  	_ =	strace s3  }
0x97: {  	_ =	strace $0x8FFFFFFF  }
0x98: {  	s19 =	sld [smem:$0x3FDB];
	_ =	sdelay $0x1  }
0x99: {  	s4 =	simm.s32 $_scs_section_size  }
0x9a: {  	s5 =	simm.s32 $_size__tile_overlayer_lowered;
	s6 =	simm.s32 $_tile_overlayer_lowered  }
0x9b: {  	s22 =	simm.s32 $0x1BFF;
	s21 =	sshll.u32 s6, $0x1;
	s3 =	sadd.s32 s4, s19  }
0x9c: {  	s7 =	simm.s32 $0x0;
	s20 =	sshll.u32 s5, $0x1;
	s5 =	sadd.s32 s21, s3  }
0x9d: {  	[timem:s7], [sflag:s22] =	dma.local [hbm:s5], s20  }
0x9e: {  	_ =	swait.ge [sflag:s22], s20  }
0x9f: {  	s4 =	ssub.s32 $0x0, s20;
	[sflag:s22] =	ssyncset.done $0x0  }
0xa0: {  	[sflag:s22] =	ssyncadd.s32 s4;
	_ =	sdelay $0x1  }
0xa1: {  	s23 =	simm.s32 $0x1B8B  }
0xa2: {  	_ =	swait.ge [sflag:s23], $0x1  }
0xa3: {  	[sflag:s23] =	ssyncset.done $0x0  }
0xa4: {  	s25 =	simm.s32 $0x1B8E;
	s24 =	sld [smem:$0x3FFE];
	[sflag:s23] =	ssyncadd.s32 $0xFFFFFFFF  }
0xa5: {  	s26 =	simm.s32 $execute0_lowered;
	[smem:$0x3FD2] =	sst s25  }
0xa6: {  	s5 =	sshll.u32 s26, $0x1;
	_ =	strace $0x8000004C;
	[dreg:$0x1] =	wrdreg $0xFFFFFFFF  }
0xa7: {  	s28 =	simm.s32 $_size_execute0_lowered;
	s3 =	sadd.s32 s3, s5;
	[dreg:$0x0] =	wrdreg $0x0  }
0xa8: {  	s5 =	sshll.u32 s28, $0x1;
	[dreg:$0x2] =	wrdreg s3  }
0xa9: {  	[dreg:$0x3] =	wrdreg s5  }
0xaa: {  	[dreg:$0x4] =	wrdreg $0xC0  }
0xab: {  	_ =	task [dreg:s7], $0x5FFFF  }
0xac: {  	[dreg:$0x1] =	wrdreg $0xFFFFFFFF  }
0xad: {  	[dreg:$0x0] =	wrdreg $0x60  }
0xae: {  	[dreg:$0x2] =	wrdreg s24  }
0xaf: {  	[dreg:$0x3] =	wrdreg s2  }
0xb0: {  	[dreg:$0x4] =	wrdreg $0x21000  }
0xb1: {  	[dreg:$0x5] =	wrdreg $0x9  }
0xb2: {  	_ =	task.clear_ibuf [dreg:s7], $0x6FFFF;
	_ =	strace $0x9000004C  }
0xb3: {  	s29 =	simm.s32 $0x9;
	_ =	strace $0x8000004E  }
0xb4: {  	_ =	swait.ge [sflag:s29], $0x1  }
0xb5: {  	[sflag:s29] =	ssyncadd.s32 $0xFFFFFFFF  }
0xb6: {  	_ =	strace $0x9000004E  }
0xb7: {  	_ =	sfence  }
0xb8: {  	s30 =	sld [smem:$0x0];
	_ =	sdelay $0x2  }
0xb9: {  	s31 =	sshll.u32 s1, $0xD;
	s1 =	sshrl.u32 s1, $0x2  }
0xba: {  	s3 =	sand.u32 $0x4000, s31;
	s1 =	sadd.s32 s1, s30  }
0xbb: {  	s0 =	sor.u32 s3, s0;
	s1 =	sshll.u32 s1, $0x11  }
0xbc: {  	s0 =	sor.u32 s1, s0  }
0xbd: {  	s0 =	sadd.s32 $0x8F2B, s0  }
0xbe: {  	[sflag:s0] =	ssyncadd.remote.s32 $0x1  }
0xbf: {  	_ =	sfence.sel $0xFFFF  }
0xc0: {  	[dreg:$0x0] =	wrdreg $0xFFFFFFFF;
	(pc) =	sbr.abs _section_cstart, $3  }
0xc1: {  	[dreg:$0x1] =	wrdreg $0xFFFFFFFF  }
0xc2: {  	_ =	task.clear_ibuf [dreg:s7], $0x2FFFF;
	_ =	strace $0x9FFFFFFF  }
0xc3: {  	(tm) =	ssettm $0x7FFFFFFF  }
tec
execute0_lowered:
.L_overlay_start_1:
0x0: {  	(tag) =	ssettag $0x1  }
0x1: {  	s6 =	rddreg [dreg:$0x0]  }
0x2: {  	s1 =	srdreg.scid;
	s10 =	rddreg [dreg:$0x1]  }
0x3: {  	s0 =	stileid.u32;
	s2 =	rddreg [dreg:$0x2]  }
0x4: {  	s3 =	simm.s32 $0x0;
	s14 =	simm.s32 $0x100;
	s4 =	smul.u32 $0x5000, s0  }
0x5: {  	s15 =	simm.s32 $0x1;
	s5 =	sand.u32 $0x1, s1;
	s8 =	smul.u32 $0xA000, s0  }
0x6: {  	s16 =	simm.s32 $0x0;
	s1 =	rddreg [dreg:$0x3];
	s7 =	smul.u32 $0x2800, s5  }
0x7: {  	[smem:$0x7FF] =	sst s3;
	s30 =	sshll.u32 s0, $0x6;
	s9 =	smul.u32 $0xA0000, s5  }
0x8: {  	_ =	strace $0x8000004D;
	s29 =	ssub.s32 $0x2, s5;
	s5 =	sadd.s32 $0x48800, s6  }
0x9: {  	s13 =	sshrl.u32 s29, $0x1;
	s31 =	sadd.s32 s8, s2;
	s7 =	sadd.s32 s7, s4  }
0xa: {  	s4 =	sadd.s32 $0x3C00, s6;
	s28 =	sadd.s32 s8, s9;
	s9 =	ssub.s32 s29, s13  }
0xb: {  	s13 =	simm.s32 $0x80;
	s11 =	sshrl.u32 s7, $0x3;
	s7 =	sshrl.u32 s28, $0x3  }
0xc: {  	s8 =	smax.u32 s9, $0x1;
	s12 =	sadd.s32 s11, s6;
	s7 =	sadd.s32 s7, s6  }
0xd: {  	s6 =	sor.u32 $0x1C02, s30;
	s10 =	sadd.s32 s11, s10;
	s11 =	sshrl.u32 s31, $0x3  }
0xe: {  	s7 =	sadd.s32 $0xA3600, s7;
	s9 =	sadd.s32 $0x3E800, s12;
	s12 =	simm.s32 $0x2  }
.LBB2_1:
0xf: {  	[spmem:s11], [sflag:s6] =	dma.local [hbm:s5], $0x1400  }
0x10: {  	_ =	swait.ge [sflag:s12], $0x1400  }
0x11: {  	[sflag:s12] =	ssyncset.done $0x0  }
0x12: {  	[sflag:s12] =	ssyncadd.s32 $0xFFFFEC00  }
0x13: {  	s17 =	sadd.s32 $0x0, s10;
	[bflag:$0x0] =	sbarrier.arrive $0xFFFF  }
0x14: {  	[tilespmem:s3], [sflag:$0x2] =	stream.linear.gather [hbm4b:s17+s3], $0x80, $0x38;
	[tilespmem:$0xC100] =	vst v63  }
0x15: {  	_ =	swait.ge [sflag:s12], $0x80  }
0x16: {  	[sflag:s12] =	ssyncset.done $0x0  }
0x17: {  	s31 =	sadd.s32 $0x0, s9;
	[sflag:s12] =	ssyncadd.s32 $0xFFFFFF80  }
0x18: {  	[tilespmem:s13], [sflag:$0x2] =	stream.linear.gather [hbm4b:s31+s3], $0x80, $0x38;
	[tilespmem:$0xC100] =	vst v63  }
0x19: {  	_ =	swait.ge [sflag:s12], $0x80  }
0x1a: {  	[sflag:s12] =	ssyncset.done $0x0  }
0x1b: {  	[sflag:s12] =	ssyncadd.s32 $0xFFFFFF80  }
0x1c: {  	[tilespmem:s14], [sflag:$0x1] =	stream.indirect.gather [hbm4b:s4+s13], $0x40, s3, s13, $0xb8;
	[tilespmem:$0xC100] =	vst v63  }
0x1d: {  	_ =	swait.ge [sflag:s15], $0x2000  }
0x1e: {  	[sflag:s15] =	ssyncset.done $0x0  }
0x1f: {  	[sflag:s15] =	ssyncadd.s32 $0xFFFFE000  }
0x20: {  	[spmem:s2] =	stream.indirect.scatter.add.f32 [tilespmem:s14], [sflag:$0x2], $0x40, s13, s13, $0xb8;
	[tilespmem:$0xC100] =	vst v63  }
0x21: {  	_ =	swait.ge [sflag:s12], $0x2000  }
0x22: {  	s18 =	simm.s32 $0x20;
	s17 =	simm.s32 $0x10;
	[sflag:s12] =	ssyncset.done $0x0  }
.LBB2_2:
0x23: {  	s19 =	sadd.s32 s17, s10  }
0x24: {  	[sflag:s12] =	ssyncadd.s32 $0xFFFFE000;
	s20 =	smov.u32 s18;
	s21 =	sadd.s32 $0x10, s18  }
0x25: {  	[tilespmem:s3], [sflag:$0x2] =	stream.linear.gather [hbm4b:s19+s3], $0x80, $0x38;
	[tilespmem:$0xC100] =	vst v63  }
0x26: {  	p0 =	sne.s32 s18, $0x4F0;
	_ =	swait.ge [sflag:s12], $0x80  }
0x27: {  	[sflag:s12] =	ssyncset.done $0x0  }
0x28: {  	s18 =	sadd.s32 s17, s9;
	s17 =	smov.u32 s20;
	[sflag:s12] =	ssyncadd.s32 $0xFFFFFF80  }
0x29: {  	[tilespmem:s13], [sflag:$0x2] =	stream.linear.gather [hbm4b:s18+s3], $0x80, $0x38;
	[tilespmem:$0xC100] =	vst v63  }
0x2a: {  	_ =	swait.ge [sflag:s12], $0x80  }
0x2b: {  	[sflag:s12] =	ssyncset.done $0x0  }
0x2c: {  	[sflag:s12] =	ssyncadd.s32 $0xFFFFFF80  }
0x2d: {  	[tilespmem:s14], [sflag:$0x1] =	stream.indirect.gather [hbm4b:s4+s13], $0x40, s3, s13, $0xb8;
	[tilespmem:$0xC100] =	vst v63  }
0x2e: {  	_ =	swait.ge [sflag:s15], $0x2000  }
.Ltmp0:
0x2f: {  	[sflag:s15] =	ssyncset.done $0x0;
	(pc) =	sbr.rel @p0 .LBB2_2-.Ltmp0, $4  }
0x30: {  	[sflag:s15] =	ssyncadd.s32 $0xFFFFE000  }
0x31: {  	[spmem:s2] =	stream.indirect.scatter.add.f32 [tilespmem:s14], [sflag:$0x2], $0x40, s13, s13, $0xb8;
	[tilespmem:$0xC100] =	vst v63  }
0x32: {  	_ =	swait.ge [sflag:s12], $0x2000  }
0x33: {  	s18 =	smov.u32 s21;
	[sflag:s12] =	ssyncset.done $0x0  }
0x34: {  	s18 =	sadd.s32 s17, s10;
	[sflag:s12] =	ssyncadd.s32 $0xFFFFE000  }
0x35: {  	[tilespmem:s3], [sflag:$0x2] =	stream.linear.gather [hbm4b:s18+s3], $0x80, $0x38;
	[tilespmem:$0xC100] =	vst v63  }
0x36: {  	_ =	swait.ge [sflag:s12], $0x80  }
0x37: {  	[sflag:s12] =	ssyncset.done $0x0  }
0x38: {  	s31 =	sadd.s32 s17, s9;
	[sflag:s12] =	ssyncadd.s32 $0xFFFFFF80  }
0x39: {  	[tilespmem:s13], [sflag:$0x2] =	stream.linear.gather [hbm4b:s31+s3], $0x80, $0x38;
	[tilespmem:$0xC100] =	vst v63  }
0x3a: {  	_ =	swait.ge [sflag:s12], $0x80  }
0x3b: {  	[sflag:s12] =	ssyncset.done $0x0  }
0x3c: {  	[sflag:s12] =	ssyncadd.s32 $0xFFFFFF80  }
0x3d: {  	[tilespmem:s14], [sflag:$0x1] =	stream.indirect.gather [hbm4b:s4+s13], $0x40, s3, s13, $0xb8;
	[tilespmem:$0xC100] =	vst v63  }
0x3e: {  	_ =	swait.ge [sflag:s15], $0x2000  }
0x3f: {  	[sflag:s15] =	ssyncset.done $0x0  }
0x40: {  	[sflag:s15] =	ssyncadd.s32 $0xFFFFE000  }
0x41: {  	[spmem:s2] =	stream.indirect.scatter.add.f32 [tilespmem:s14], [sflag:$0x2], $0x40, s13, s13, $0xb8;
	[tilespmem:$0xC100] =	vst v63  }
0x42: {  	_ =	swait.ge [sflag:s12], $0x2000  }
0x43: {  	s16 =	sadd.s32 $0x1, s16;
	[sflag:s12] =	ssyncset.done $0x0  }
0x44: {  	p0 =	sne.s32 s16, s8;
	[sflag:s12] =	ssyncadd.s32 $0xFFFFE000  }
.Ltmp1:
0x45: {  	[bflag:$0x0] =	sbarrier.arrive $0xFFFF;
	(pc) =	sbr.rel @p0 .LBB2_1-.Ltmp1, $4  }
0x46: {  	[hbm:s7], [sflag:s6] =	dma.local [spmem:s11], $0x1400  }
0x47: {  	_ =	swait.ge [sflag:s12], $0x1400  }
0x48: {  	[sflag:s12] =	ssyncset.done $0x0  }
0x49: {  	[sflag:s12] =	ssyncadd.s32 $0xFFFFEC00  }
0x4a: {  	_ =	sfence.sel $0x180000  }
0x4b: {  	[bflag:$0x0] =	sbarrier.arrive $0xFFFF  }
0x4c: {  	p0 =	sne.s32 s0, $0x0;
	_ =	strace $0x9000004D  }
0x4d: {  	s0 =	sadd.s32 @!p0 $0x100000, s1;
	[bflag:$0x2] =	sbarrier.arrive $0xFFFF  }
0x4e: {  	[sflag:s0] =	ssyncadd.tile.s32 @!p0 $0x1;
	_ =	shalt  }
.Lfunc_end2:
_tile_overlayer_lowered:
.L_overlay_start_2:
0x4f: {  	(tag) =	ssettag $0x2  }
0x50: {  	s0 =	rddreg [dreg:$0x0];
	s2 =	stileid.u32  }
0x51: {  	s1 =	rddreg [dreg:$0x1];
	p0 =	sne.s32 s2, $0x0  }
0x52: {  	s3 =	rddreg [dreg:$0x2];
	[bflag:$0x3] =	sbarrier.arrive $0xFFFF;
	s2 =	simm.s32 @!p0 $0x1C02  }
0x53: {  	[timem:s3], [sflag:s2] =	dma.local @!p0 [hbm:s0], s1  }
0x54: {  	s0 =	simm.s32 @!p0 $0x2  }
0x55: {  	_ =	swait.ge @!p0 [sflag:s0], s1  }
0x56: {  	s1 =	ssub.s32 @!p0 $0x0, s1;
	[sflag:s0] =	ssyncset.done @!p0 $0x0  }
0x57: {  	[sflag:s0] =	ssyncadd.s32 @!p0 s1  }
0x58: {  	[bflag:$0x3] =	sbarrier.arrive $0xFFFF  }
0x59: {  	_ =	shalt  }

// kernel: kernel.9.cloned.1.call-start
scs
__scs_entry_jumppad:
0x0: {  	(pc) =	sbr.rel $0x88, $3  }
0x1: {  	(tag) =	ssettag $0x0;
	lr =	simm.s32 $0x1  }
0x2: {  	[smem:$0x3F94] =	sst lr;
	_ =	strace $0xD0000000  }
0x3: {  	_ = 	snop  }
0x4: {  	_ = 	snop  }
0x5: {  	_ = 	snop  }
0x6: {  	_ = 	snop  }
0x7: {  	_ = 	snop  }
__scs_overlays_trampoline_lowered:
0x8: {  	[smem:$0x3FA3] =	sst s0  }
0x9: {  	[smem:$0x3FA4] =	sst s1  }
0xa: {  	[smem:$0x3FA5] =	sst s2  }
0xb: {  	[smem:$0x3FA6] =	sst s3  }
0xc: {  	[smem:$0x3FA7] =	sst s4  }
0xd: {  	[smem:$0x3FA8] =	sst s5  }
0xe: {  	[smem:$0x3FA9] =	sst s6  }
0xf: {  	[smem:$0x3FAA] =	sst s7  }
0x10: {  	[smem:$0x3FAB] =	sst s8  }
0x11: {  	[smem:$0x3FAC] =	sst s9;
	s0 =	simm.s32 @!p0 $0x0  }
0x12: {  	s1 =	sld [smem:$0x3F92];
	s0 =	simm.s32 @p0 $0x1  }
0x13: {  	[smem:$0x3FAD] =	sst s0;
	s0 =	simm.s32 @!p1 $0x0  }
0x14: {  	s2 =	sld [smem:$0x3F91];
	s0 =	simm.s32 @p1 $0x1  }
0x15: {  	[smem:$0x3FAE] =	sst s0;
	s0 =	simm.s32 @!p2 $0x0  }
0x16: {  	s3 =	sld [smem:$0x3FDB];
	s0 =	simm.s32 @p2 $0x1  }
0x17: {  	s4 =	simm.s32 $0x1BF5;
	[smem:$0x3FB0] =	sst s0  }
0x18: {  	s0 =	sld [smem:$0x3F93];
	_ =	swait.ge [sflag:s4], $0x0  }
0x19: {  	s7 =	sld [smem:$0x3F94]  }
0x1a: {  	s8 =	sadd.s32 $0xFFFFE003, lr  }
0x1b: {  	s9 =	sadd.s32 $0xFFFFFEF7, lr;
	s5 =	simm.s32 $0xFFFFFFFF;
	p2 =	slt.u32 s8, $0xFFFFF086  }
0x1c: {  	p1 =	slt.u32 s9, $0xF7A;
	s5 =	simm.s32 @!p2 $0x0  }
0x1d: {  	s5 =	simm.s32 @p1 $0x1;
	p0 =	seq.s32 s7, s2  }
0x1e: {  	s7 =	smul.u32 @!p0 $0xF7A, s2;
	p2 =	seq.s32 @!p0 s5, $0x0  }
0x1f: {  	s9 =	smul.u32 $0xF7A, s1;
	s8 =	simm.s32 @!p0 $0x1BF5;
	p2 =	por !p2, p0  }
0x20: {  	[sflag:s8] =	ssyncset.s32 @!p0 $0xFFFFF086;
	s6 =	sadd.s32 @!p0 s3, s7;
	s7 =	simm.s32 @!p0 $0x108  }
0x21: {  	s3 =	sadd.s32 s3, s9;
	s6 =	sadd.s32 @!p0 $0x88, s6;
	s7 =	simm.s32 @p2 $0x1082  }
0x22: {  	[simem:s7], [sflag:s8] =	dma.local @!p0 [hbm:s6], $0xF7A  }
0x23: {  	s9 =	sor.u32 $0xD0000000, s2;
	s6 =	simm.s32 $0x108;
	_ =	swait.ge @!p0 [sflag:s8], $0x0  }
0x24: {  	s3 =	sadd.s32 $0x88, s3;
	s6 =	simm.s32 @!p1 $0x1082;
	[sflag:s4] =	ssyncset.s32 $0xFFFFF086  }
0x25: {  	[simem:s6], [sflag:s4] =	dma.local [hbm:s3], $0xF7A  }
0x26: {  	[smem:$0x3F94] =	sst s1;
	(tag) =	ssettag s2;
	_ =	strace s9  }
0x27: {  	s1 =	sld [smem:$0x3FA4]  }
0x28: {  	s2 =	sld [smem:$0x3FA5]  }
0x29: {  	s4 =	sld [smem:$0x3FA7]  }
0x2a: {  	p0 =	seq.s32 s5, $0x0;
	s5 =	sld [smem:$0x3FA8]  }
0x2b: {  	s6 =	sld [smem:$0x3FA9]  }
0x2c: {  	s7 =	sld [smem:$0x3FAA]  }
0x2d: {  	s3 =	simm.s32 $0x108;
	s8 =	sld [smem:$0x3FAB]  }
0x2e: {  	s3 =	simm.s32 @!p0 $0x1082;
	s9 =	sld [smem:$0x3FAC]  }
0x2f: {  	lr =	sadd.s32 s0, s3;
	s0 =	sld [smem:$0x3FA3]  }
0x30: {  	s3 =	sld [smem:$0x3FA6]  }
0x31: {  	[smem:$0x3FAF] =	sst s10  }
0x32: {  	s10 =	sld [smem:$0x3FAD];
	_ =	sdelay $0x3  }
0x33: {  	p0 =	seq.s32 s10, $0x1;
	s10 =	sld [smem:$0x3FAF];
	_ =	sdelay $0x3  }
0x34: {  	[smem:$0x3FAF] =	sst s10  }
0x35: {  	s10 =	sld [smem:$0x3FAE];
	_ =	sdelay $0x3  }
0x36: {  	p1 =	seq.s32 s10, $0x1;
	s10 =	sld [smem:$0x3FAF];
	_ =	sdelay $0x3  }
0x37: {  	[smem:$0x3FAF] =	sst s10  }
0x38: {  	s10 =	sld [smem:$0x3FB0]  }
0x39: {  	_ = 	snop;
	(pc) =	sbr.ind lr, $3  }
0x3a: {  	_ = 	snop  }
0x3b: {  	_ = 	snop  }
0x3c: {  	p2 =	seq.s32 s10, $0x1;
	s10 =	sld [smem:$0x3FAF]  }
0x3d: {  	_ =	shalt  }
0x3e: {  	_ =	shalt  }
0x3f: {  	_ =	shalt  }
0x40: {  	_ =	shalt  }
0x41: {  	_ =	shalt  }
0x42: {  	_ =	shalt  }
0x43: {  	_ =	shalt  }
0x44: {  	_ =	shalt  }
0x45: {  	_ =	shalt  }
0x46: {  	_ =	shalt  }
0x47: {  	_ =	shalt  }
0x48: {  	_ =	shalt  }
0x49: {  	_ =	shalt  }
0x4a: {  	_ =	shalt  }
0x4b: {  	_ =	shalt  }
0x4c: {  	_ =	shalt  }
0x4d: {  	_ =	shalt  }
0x4e: {  	_ =	shalt  }
0x4f: {  	_ =	shalt  }
0x50: {  	_ =	shalt  }
0x51: {  	_ =	shalt  }
0x52: {  	_ =	shalt  }
0x53: {  	_ =	shalt  }
0x54: {  	_ =	shalt  }
0x55: {  	_ =	shalt  }
0x56: {  	_ =	shalt  }
0x57: {  	_ =	shalt  }
0x58: {  	_ =	shalt  }
0x59: {  	_ =	shalt  }
0x5a: {  	_ =	shalt  }
0x5b: {  	_ =	shalt  }
0x5c: {  	_ =	shalt  }
0x5d: {  	_ =	shalt  }
0x5e: {  	_ =	shalt  }
0x5f: {  	_ =	shalt  }
0x60: {  	_ =	shalt  }
0x61: {  	_ =	shalt  }
0x62: {  	_ =	shalt  }
0x63: {  	_ =	shalt  }
0x64: {  	_ =	shalt  }
0x65: {  	_ =	shalt  }
0x66: {  	_ =	shalt  }
0x67: {  	_ =	shalt  }
0x68: {  	_ =	shalt  }
0x69: {  	_ =	shalt  }
0x6a: {  	_ =	shalt  }
0x6b: {  	_ =	shalt  }
0x6c: {  	_ =	shalt  }
0x6d: {  	_ =	shalt  }
0x6e: {  	_ =	shalt  }
0x6f: {  	_ =	shalt  }
0x70: {  	_ =	shalt  }
0x71: {  	_ =	shalt  }
0x72: {  	_ =	shalt  }
0x73: {  	_ =	shalt  }
0x74: {  	_ =	shalt  }
0x75: {  	_ =	shalt  }
0x76: {  	_ =	shalt  }
0x77: {  	_ =	shalt  }
0x78: {  	_ =	shalt  }
0x79: {  	_ =	shalt  }
0x7a: {  	_ =	shalt  }
0x7b: {  	_ =	shalt  }
0x7c: {  	_ =	shalt  }
0x7d: {  	_ =	shalt  }
0x7e: {  	_ =	shalt  }
0x7f: {  	_ =	shalt  }
0x80: {  	_ =	shalt  }
0x81: {  	_ =	shalt  }
0x82: {  	_ =	shalt  }
0x83: {  	_ =	shalt  }
0x84: {  	_ =	shalt  }
0x85: {  	_ =	shalt  }
0x86: {  	_ =	shalt  }
0x87: {  	_ =	shalt  }
.Lfunc_end0:
.L_simem_size_0:
called_computation_lowered:
.L_overlay_start_0:
0x88: {  	s2 =	sld [smem:$0x3FD9]  }
0x89: {  	s3 =	sld [smem:$0x3FFE];
	_ =	sdelay $0x1  }
0x8a: {  	s1 =	srdreg.scid  }
0x8b: {  	s0 =	sand.u32 $0x1, s1  }
0x8c: {  	s17 =	sshll.u32 s0, $0xA;
	s2 =	sadd.s32 s3, s2  }
0x8d: {  	s2 =	sadd.s32 s2, s17  }
0x8e: {  	[smem:$0x3FBB] =	sst s2  }
0x8f: {  	_ = 	snop  }
0x90: {  	s2 =	sld [smem:$0x3FD0];
	(tm) =	ssettm $0x1  }
0x91: {  	s18 =	sld [smem:$0x3FFB];
	_ =	sdelay $0x3  }
0x92: {  	_ =	strace s18  }
0x93: {  	s3 =	sld [smem:$0x3FFC];
	_ =	sdelay $0x3  }
0x94: {  	_ =	strace s3  }
0x95: {  	s3 =	sld [smem:$0x3FFD];
	_ =	sdelay $0x3  }
0x96: {  	_ =	strace s3  }
0x97: {  	_ =	strace $0x8FFFFFFF  }
0x98: {  	s19 =	sld [smem:$0x3FDB];
	_ =	sdelay $0x1  }
0x99: {  	s4 =	simm.s32 $_scs_section_size  }
0x9a: {  	s5 =	simm.s32 $_size__tile_overlayer_lowered;
	s6 =	simm.s32 $_tile_overlayer_lowered  }
0x9b: {  	s22 =	simm.s32 $0x1BFF;
	s21 =	sshll.u32 s6, $0x1;
	s3 =	sadd.s32 s4, s19  }
0x9c: {  	s7 =	simm.s32 $0x0;
	s20 =	sshll.u32 s5, $0x1;
	s5 =	sadd.s32 s21, s3  }
0x9d: {  	[timem:s7], [sflag:s22] =	dma.local [hbm:s5], s20  }
0x9e: {  	_ =	swait.ge [sflag:s22], s20  }
0x9f: {  	s4 =	ssub.s32 $0x0, s20;
	[sflag:s22] =	ssyncset.done $0x0  }
0xa0: {  	[sflag:s22] =	ssyncadd.s32 s4;
	_ =	sdelay $0x1  }
0xa1: {  	s23 =	simm.s32 $0x1B8B  }
0xa2: {  	_ =	swait.ge [sflag:s23], $0x1  }
0xa3: {  	[sflag:s23] =	ssyncset.done $0x0  }
0xa4: {  	s25 =	simm.s32 $0x1B8E;
	s24 =	sld [smem:$0x3FFE];
	[sflag:s23] =	ssyncadd.s32 $0xFFFFFFFF  }
0xa5: {  	s26 =	simm.s32 $execute0_lowered;
	[smem:$0x3FD2] =	sst s25  }
0xa6: {  	s5 =	sshll.u32 s26, $0x1;
	_ =	strace $0x80000046;
	[dreg:$0x1] =	wrdreg $0xFFFFFFFF  }
0xa7: {  	s28 =	simm.s32 $_size_execute0_lowered;
	s3 =	sadd.s32 s3, s5;
	[dreg:$0x0] =	wrdreg $0x0  }
0xa8: {  	s5 =	sshll.u32 s28, $0x1;
	[dreg:$0x2] =	wrdreg s3  }
0xa9: {  	[dreg:$0x3] =	wrdreg s5  }
0xaa: {  	[dreg:$0x4] =	wrdreg $0xC0  }
0xab: {  	_ =	task [dreg:s7], $0x5FFFF  }
0xac: {  	[dreg:$0x1] =	wrdreg $0xFFFFFFFF  }
0xad: {  	[dreg:$0x0] =	wrdreg $0x60  }
0xae: {  	[dreg:$0x2] =	wrdreg s24  }
0xaf: {  	[dreg:$0x3] =	wrdreg s2  }
0xb0: {  	[dreg:$0x4] =	wrdreg $0x29000  }
0xb1: {  	[dreg:$0x5] =	wrdreg $0xC9000  }
0xb2: {  	[dreg:$0x6] =	wrdreg $0x9  }
0xb3: {  	_ =	task.clear_ibuf [dreg:s7], $0x7FFFF;
	_ =	strace $0x90000046  }
0xb4: {  	s29 =	simm.s32 $0x9;
	_ =	strace $0x80000048  }
0xb5: {  	_ =	swait.ge [sflag:s29], $0x1  }
0xb6: {  	[sflag:s29] =	ssyncadd.s32 $0xFFFFFFFF  }
0xb7: {  	_ =	strace $0x90000048  }
0xb8: {  	_ =	sfence  }
0xb9: {  	s30 =	sld [smem:$0x0];
	_ =	sdelay $0x2  }
0xba: {  	s31 =	sshll.u32 s1, $0xD;
	s1 =	sshrl.u32 s1, $0x2  }
0xbb: {  	s3 =	sand.u32 $0x4000, s31;
	s1 =	sadd.s32 s1, s30  }
0xbc: {  	s0 =	sor.u32 s3, s0;
	s1 =	sshll.u32 s1, $0x11  }
0xbd: {  	s0 =	sor.u32 s1, s0  }
0xbe: {  	s0 =	sadd.s32 $0x8F2B, s0  }
0xbf: {  	[sflag:s0] =	ssyncadd.remote.s32 $0x1  }
0xc0: {  	_ =	sfence.sel $0xFFFF  }
0xc1: {  	[dreg:$0x0] =	wrdreg $0xFFFFFFFF;
	(pc) =	sbr.abs _section_cstart, $3  }
0xc2: {  	[dreg:$0x1] =	wrdreg $0xFFFFFFFF  }
0xc3: {  	_ =	task.clear_ibuf [dreg:s7], $0x2FFFF;
	_ =	strace $0x9FFFFFFF  }
0xc4: {  	(tm) =	ssettm $0x7FFFFFFF  }
0xc5: {  	_ =	shalt  }
tec
execute0_lowered:
.L_overlay_start_1:
0x0: {  	(tag) =	ssettag $0x1  }
0x1: {  	s9 =	rddreg [dreg:$0x0]  }
0x2: {  	s14 =	rddreg [dreg:$0x1];
	s1 =	srdreg.scid  }
0x3: {  	s0 =	stileid.u32;
	s2 =	rddreg [dreg:$0x2]  }
0x4: {  	s3 =	rddreg [dreg:$0x3];
	s4 =	simm.s32 $0x0;
	s5 =	smul.u32 $0x5000, s0  }
0x5: {  	s21 =	simm.s32 $0x1;
	s22 =	simm.s32 $0x0;
	s11 =	smul.u32 $0xA000, s0  }
0x6: {  	s10 =	sand.u32 $0x1, s1;
	s1 =	rddreg [dreg:$0x4];
	s13 =	smul.u32 $0x2800, s0  }
0x7: {  	[smem:$0x7FF] =	sst s4;
	s7 =	sadd.s32 $0x49C00, s9;
	s6 =	smul.u32 $0x2800, s10  }
0x8: {  	s8 =	sadd.s32 $0x4A200, s9;
	s31 =	sshll.u32 s0, $0x6;
	s12 =	smul.u32 $0xA0000, s10  }
0x9: {  	_ =	strace $0x80000047;
	s16 =	smul.u32 $0x28000, s10;
	s10 =	ssub.s32 $0x2, s10  }
0xa: {  	s30 =	sshrl.u32 s10, $0x1;
	s19 =	sadd.s32 s11, s2;
	s20 =	sadd.s32 s13, s3  }
0xb: {  	s6 =	sadd.s32 s6, s5;
	s5 =	sadd.s32 $0x2AE00, s9;
	s12 =	sadd.s32 s11, s12  }
0xc: {  	s16 =	sadd.s32 s13, s16;
	s18 =	ssub.s32 s10, s30;
	s15 =	sshrl.u32 s6, $0x3  }
0xd: {  	s6 =	sadd.s32 $0x48800, s9;
	s12 =	sshrl.u32 s12, $0x3;
	s16 =	sshrl.u32 s16, $0x3  }
0xe: {  	s17 =	sadd.s32 s15, s9;
	s12 =	sadd.s32 s12, s9;
	s16 =	sadd.s32 s16, s9  }
0xf: {  	s9 =	sor.u32 $0x1C02, s31;
	s14 =	sadd.s32 s15, s14;
	s15 =	sshrl.u32 s19, $0x3  }
0x10: {  	s19 =	simm.s32 $0x80;
	s10 =	sadd.s32 $0x54400, s12;
	s11 =	sadd.s32 $0x4A400, s16  }
0x11: {  	s12 =	smax.u32 s18, $0x1;
	s13 =	sadd.s32 $0x3E800, s17;
	s16 =	simm.s32 $0x2  }
0x12: {  	s17 =	sshrl.u32 s20, $0x3;
	s18 =	simm.s32 $0x2100;
	s20 =	simm.s32 $0x100  }
.LBB2_1:
0x13: {  	[spmem:s15], [sflag:s9] =	dma.local [hbm:s6], $0x1400  }
0x14: {  	_ =	swait.ge [sflag:s16], $0x1400  }
0x15: {  	[sflag:s16] =	ssyncset.done $0x0  }
0x16: {  	[sflag:s16] =	ssyncadd.s32 $0xFFFFEC00  }
0x17: {  	[spmem:s17], [sflag:s9] =	dma.local [hbm:s7], $0x500  }
0x18: {  	_ =	swait.ge [sflag:s16], $0x500  }
0x19: {  	[sflag:s16] =	ssyncset.done $0x0  }
0x1a: {  	[sflag:s16] =	ssyncadd.s32 $0xFFFFFB00  }
0x1b: {  	[tilespmem:s18], [sflag:$0x2] =	stream.linear.gather [hbm4b:s8+s4], $0x800, $0x38;
	[tilespmem:$0xF100] =	vst v63  }
0x1c: {  	_ =	swait.ge [sflag:s16], $0x800  }
0x1d: {  	[sflag:s16] =	ssyncset.done $0x0  }
0x1e: {  	[sflag:s16] =	ssyncadd.s32 $0xFFFFF800  }
0x1f: {  	s23 =	sadd.s32 $0x0, s14;
	[bflag:$0x0] =	sbarrier.arrive $0xFFFF  }
0x20: {  	[tilespmem:s4], [sflag:$0x2] =	stream.linear.gather [hbm4b:s23+s4], $0x80, $0x38;
	[tilespmem:$0xF100] =	vst v63  }
0x21: {  	_ =	swait.ge [sflag:s16], $0x80  }
0x22: {  	[sflag:s16] =	ssyncset.done $0x0  }
0x23: {  	s31 =	sadd.s32 $0x0, s13;
	[sflag:s16] =	ssyncadd.s32 $0xFFFFFF80  }
0x24: {  	[tilespmem:s19], [sflag:$0x2] =	stream.linear.gather [hbm4b:s31+s4], $0x80, $0x38;
	[tilespmem:$0xF100] =	vst v63  }
0x25: {  	_ =	swait.ge [sflag:s16], $0x80  }
0x26: {  	[sflag:s16] =	ssyncset.done $0x0  }
0x27: {  	[sflag:s16] =	ssyncadd.s32 $0xFFFFFF80  }
0x28: {  	[tilespmem:s20], [sflag:$0x1] =	stream.indirect.gather [hbm4b:s5+s19], $0x40, s4, s19, $0xb8;
	[tilespmem:$0xF100] =	vst v63  }
0x29: {  	_ =	swait.ge [sflag:s21], $0x2000  }
0x2a: {  	[sflag:s21] =	ssyncset.done $0x0  }
0x2b: {  	[sflag:s21] =	ssyncadd.s32 $0xFFFFE000  }
0x2c: {  	[spmem:s2] =	stream.indirect.scatter.add.f32 [tilespmem:s20], [sflag:$0x2], $0x40, s19, s19, $0xb8;
	[tilespmem:$0xF100] =	vst v63  }
0x2d: {  	_ =	swait.ge [sflag:s16], $0x2000  }
0x2e: {  	[sflag:s16] =	ssyncset.done $0x0  }
0x2f: {  	[sflag:s16] =	ssyncadd.s32 $0xFFFFE000  }
0x30: {  	[spmem:s3] =	stream.indirect.scatter.add.f32 [tilespmem:s18], [sflag:$0x2], $0x10, s19, s19, $0xb8;
	[tilespmem:$0xF100] =	vst v63  }
0x31: {  	_ =	swait.ge [sflag:s16], $0x800  }
0x32: {  	s24 =	simm.s32 $0x20;
	s23 =	simm.s32 $0x10;
	[sflag:s16] =	ssyncset.done $0x0  }
.LBB2_2:
0x33: {  	s25 =	sadd.s32 s23, s14  }
0x34: {  	[sflag:s16] =	ssyncadd.s32 $0xFFFFF800;
	s26 =	smov.u32 s24;
	s28 =	sadd.s32 $0x10, s24  }
0x35: {  	[tilespmem:s4], [sflag:$0x2] =	stream.linear.gather [hbm4b:s25+s4], $0x80, $0x38;
	[tilespmem:$0xF100] =	vst v63  }
0x36: {  	p0 =	sne.s32 s24, $0x4F0;
	_ =	swait.ge [sflag:s16], $0x80  }
0x37: {  	[sflag:s16] =	ssyncset.done $0x0  }
0x38: {  	s24 =	sadd.s32 s23, s13;
	s23 =	smov.u32 s26;
	[sflag:s16] =	ssyncadd.s32 $0xFFFFFF80  }
0x39: {  	[tilespmem:s19], [sflag:$0x2] =	stream.linear.gather [hbm4b:s24+s4], $0x80, $0x38;
	[tilespmem:$0xF100] =	vst v63  }
0x3a: {  	_ =	swait.ge [sflag:s16], $0x80  }
0x3b: {  	[sflag:s16] =	ssyncset.done $0x0  }
0x3c: {  	[sflag:s16] =	ssyncadd.s32 $0xFFFFFF80  }
0x3d: {  	[tilespmem:s20], [sflag:$0x1] =	stream.indirect.gather [hbm4b:s5+s19], $0x40, s4, s19, $0xb8;
	[tilespmem:$0xF100] =	vst v63  }
0x3e: {  	_ =	swait.ge [sflag:s21], $0x2000  }
0x3f: {  	[sflag:s21] =	ssyncset.done $0x0  }
0x40: {  	[sflag:s21] =	ssyncadd.s32 $0xFFFFE000  }
0x41: {  	[spmem:s2] =	stream.indirect.scatter.add.f32 [tilespmem:s20], [sflag:$0x2], $0x40, s19, s19, $0xb8;
	[tilespmem:$0xF100] =	vst v63  }
0x42: {  	_ =	swait.ge [sflag:s16], $0x2000  }
.Ltmp0:
0x43: {  	[sflag:s16] =	ssyncset.done $0x0;
	(pc) =	sbr.rel @p0 .LBB2_2-.Ltmp0, $4  }
0x44: {  	[sflag:s16] =	ssyncadd.s32 $0xFFFFE000  }
0x45: {  	[spmem:s3] =	stream.indirect.scatter.add.f32 [tilespmem:s18], [sflag:$0x2], $0x10, s19, s19, $0xb8;
	[tilespmem:$0xF100] =	vst v63  }
0x46: {  	_ =	swait.ge [sflag:s16], $0x800  }
0x47: {  	s24 =	smov.u32 s28;
	[sflag:s16] =	ssyncset.done $0x0  }
0x48: {  	s24 =	sadd.s32 s23, s14;
	[sflag:s16] =	ssyncadd.s32 $0xFFFFF800  }
0x49: {  	[tilespmem:s4], [sflag:$0x2] =	stream.linear.gather [hbm4b:s24+s4], $0x80, $0x38;
	[tilespmem:$0xF100] =	vst v63  }
0x4a: {  	_ =	swait.ge [sflag:s16], $0x80  }
0x4b: {  	[sflag:s16] =	ssyncset.done $0x0  }
0x4c: {  	s31 =	sadd.s32 s23, s13;
	[sflag:s16] =	ssyncadd.s32 $0xFFFFFF80  }
0x4d: {  	[tilespmem:s19], [sflag:$0x2] =	stream.linear.gather [hbm4b:s31+s4], $0x80, $0x38;
	[tilespmem:$0xF100] =	vst v63  }
0x4e: {  	_ =	swait.ge [sflag:s16], $0x80  }
0x4f: {  	[sflag:s16] =	ssyncset.done $0x0  }
0x50: {  	[sflag:s16] =	ssyncadd.s32 $0xFFFFFF80  }
0x51: {  	[tilespmem:s20], [sflag:$0x1] =	stream.indirect.gather [hbm4b:s5+s19], $0x40, s4, s19, $0xb8;
	[tilespmem:$0xF100] =	vst v63  }
0x52: {  	_ =	swait.ge [sflag:s21], $0x2000  }
0x53: {  	[sflag:s21] =	ssyncset.done $0x0  }
0x54: {  	[sflag:s21] =	ssyncadd.s32 $0xFFFFE000  }
0x55: {  	[spmem:s2] =	stream.indirect.scatter.add.f32 [tilespmem:s20], [sflag:$0x2], $0x40, s19, s19, $0xb8;
	[tilespmem:$0xF100] =	vst v63  }
0x56: {  	_ =	swait.ge [sflag:s16], $0x2000  }
0x57: {  	[sflag:s16] =	ssyncset.done $0x0  }
0x58: {  	[sflag:s16] =	ssyncadd.s32 $0xFFFFE000  }
0x59: {  	[spmem:s3] =	stream.indirect.scatter.add.f32 [tilespmem:s18], [sflag:$0x2], $0x10, s19, s19, $0xb8;
	[tilespmem:$0xF100] =	vst v63  }
0x5a: {  	_ =	swait.ge [sflag:s16], $0x800  }
0x5b: {  	[sflag:s16] =	ssyncset.done $0x0  }
0x5c: {  	[sflag:s16] =	ssyncadd.s32 $0xFFFFF800  }
0x5d: {  	[bflag:$0x0] =	sbarrier.arrive $0xFFFF  }
0x5e: {  	[hbm:s10], [sflag:s9] =	dma.local [spmem:s15], $0x1400  }
0x5f: {  	s22 =	sadd.s32 $0x1, s22;
	_ =	swait.ge [sflag:s16], $0x1400  }
0x60: {  	p0 =	sne.s32 s22, s12;
	[sflag:s16] =	ssyncset.done $0x0  }
.Ltmp1:
0x61: {  	[sflag:s16] =	ssyncadd.s32 $0xFFFFEC00;
	(pc) =	sbr.rel @p0 .LBB2_1-.Ltmp1, $4  }
0x62: {  	[hbm:s11], [sflag:s9] =	dma.local [spmem:s17], $0x500  }
0x63: {  	_ =	swait.ge [sflag:s16], $0x500  }
0x64: {  	[sflag:s16] =	ssyncset.done $0x0  }
0x65: {  	[sflag:s16] =	ssyncadd.s32 $0xFFFFFB00  }
0x66: {  	_ =	sfence.sel $0x180000  }
0x67: {  	[bflag:$0x0] =	sbarrier.arrive $0xFFFF  }
0x68: {  	p0 =	sne.s32 s0, $0x0;
	_ =	strace $0x90000047  }
0x69: {  	s0 =	sadd.s32 @!p0 $0x100000, s1;
	[bflag:$0x2] =	sbarrier.arrive $0xFFFF  }
0x6a: {  	[sflag:s0] =	ssyncadd.tile.s32 @!p0 $0x1;
	_ =	shalt  }
.Lfunc_end2:
_tile_overlayer_lowered:
.L_overlay_start_2:
0x6b: {  	(tag) =	ssettag $0x2  }
0x6c: {  	s0 =	rddreg [dreg:$0x0];
	s2 =	stileid.u32  }
0x6d: {  	s1 =	rddreg [dreg:$0x1];
	p0 =	sne.s32 s2, $0x0  }
0x6e: {  	s3 =	rddreg [dreg:$0x2];
	[bflag:$0x3] =	sbarrier.arrive $0xFFFF;
	s2 =	simm.s32 @!p0 $0x1C02  }
0x6f: {  	[timem:s3], [sflag:s2] =	dma.local @!p0 [hbm:s0], s1  }
0x70: {  	s0 =	simm.s32 @!p0 $0x2  }
0x71: {  	_ =	swait.ge @!p0 [sflag:s0], s1  }
0x72: {  	s1 =	ssub.s32 @!p0 $0x0, s1;
	[sflag:s0] =	ssyncset.done @!p0 $0x0  }
0x73: {  	[sflag:s0] =	ssyncadd.s32 @!p0 s1  }
0x74: {  	[bflag:$0x3] =	sbarrier.arrive $0xFFFF  }
0x75: {  	_ =	shalt  }

</sc_bundles>
